<compile_context>
chip_gen: v7x
topology: tpu7x:2x2x1
jax: 0.10.2.dev20260603
libtpu: 0.0.44.dev20260713+nightly
codegen_flags: <defaults>
</compile_context>

<pallas_src>
import math

import jax
import jax.numpy as jnp
from jax import lax
from jax.experimental import pallas as pl
from jax.experimental.pallas import tpu as pltpu
from jax.experimental.pallas import tpu_sc as plsc

N_ATOMS = 10000
N_EDGES = 320000
D = 128
D_RBF = 16
INV_SQRT_2 = 1.0 / math.sqrt(2.0)


_BG = 12800


def _stage1_body(m_ref, bt_ref, w_ref, x_ref):
    emb = lax.dot_general(bt_ref[...], w_ref[...],
                          dimension_numbers=(((0,), (0,)), ((), ())),
                          preferred_element_type=jnp.float32)
    x_ref[...] = m_ref[...] * emb


def _stage1(m, basis_t, w_eff, n_rows, blk_off):
    grid = n_rows // _BG
    return pl.pallas_call(
        _stage1_body,
        grid=(grid,),
        in_specs=[
            pl.BlockSpec((_BG, D), lambda g: (g + blk_off, 0)),
            pl.BlockSpec((D_RBF, _BG), lambda g: (0, g + blk_off)),
            pl.BlockSpec((D_RBF, D), lambda g: (0, 0)),
        ],
        out_specs=pl.BlockSpec((_BG, D), lambda g: (g, 0)),
        out_shape=jax.ShapeDtypeStruct((n_rows, D), jnp.float32),
    )(m, basis_t, w_eff)



_E_TC = 102400
_BT = 1024
_N_PAD = 10240


def _stage1a_body(wstart_ref, wcnt_ref, m_ref, bt_ref, w_ref, idx_ref, o_ref,
                  acc_ref):
    g = pl.program_id(0)
    ng = pl.num_programs(0)

    @pl.when(g == 0)
    def _():
        acc_ref[...] = jnp.zeros((_N_PAD // 128, 128, D), jnp.float32)

    emb = lax.dot_general(bt_ref[...], w_ref[...],
                          dimension_numbers=(((0,), (0,)), ((), ())),
                          preferred_element_type=jnp.float32)
    xb = (m_ref[...] * emb).astype(jnp.bfloat16)
    idxv = idx_ref[0, 0, :]
    iota_sub = lax.broadcasted_iota(jnp.int32, (128, _BT), 0)
    w0 = wstart_ref[g]
    nw = wcnt_ref[g]

    def wbody(k, carry):
        w = w0 + k
        onehot = (iota_sub + w * 128 == idxv[None, :]).astype(jnp.bfloat16)
        part = lax.dot_general(onehot, xb,
                               dimension_numbers=(((1,), (0,)), ((), ())),
                               preferred_element_type=jnp.float32)
        acc_ref[w, :, :] += part
        return carry

    lax.fori_loop(0, nw, wbody, 0)

    @pl.when(g == ng - 1)
    def _():
        o_ref[...] = acc_ref[...]


def _stage1a(m, basis_t, w_eff, idx3):
    grid = _E_TC // _BT
    nslab = _N_PAD // 128
    gspec = pltpu.PrefetchScalarGridSpec(
        num_scalar_prefetch=2,
        grid=(grid,),
        in_specs=[
            pl.BlockSpec((_BT, D), lambda g, s0, s1: (g, 0)),
            pl.BlockSpec((D_RBF, _BT), lambda g, s0, s1: (0, g)),
            pl.BlockSpec((D_RBF, D), lambda g, s0, s1: (0, 0)),
            pl.BlockSpec((1, 1, _BT), lambda g, s0, s1: (g, 0, 0)),
        ],
        out_specs=pl.BlockSpec((nslab, 128, D), lambda g, s0, s1: (0, 0, 0)),
        scratch_shapes=[pltpu.VMEM((nslab, 128, D), jnp.float32)],
    )
    idx_blk = idx3[:_E_TC].reshape(grid, _BT)
    first = idx_blk[:, 0] // 128
    last = idx_blk[:, _BT - 1] // 128
    wcnt = last - first + 1
    out = pl.pallas_call(
        _stage1a_body,
        grid_spec=gspec,
        out_shape=jax.ShapeDtypeStruct((nslab, 128, D), jnp.float32),
    )(first, wcnt, m, basis_t, w_eff, idx_blk.reshape(grid, 1, _BT))
    return out.reshape(_N_PAD, D)



_C = 128
_NCHUNKS = N_EDGES // _C
_E_SC = N_EDGES - _E_TC
_SC_OFF = _E_TC // _C
_NBLK = _E_SC // _C
_NW = 32
_IDXROWS = 88
_IDXPAD_ROWS = 2552
_ROWS_PER_SUB = _N_PAD // 16


def _make_sc_body(chunk_off):
    def _sc_scatter_body(x_hbm, idx2_hbm, zeros_hbm, out_hbm, xb0, xb1, idxv,
                         acc, sem0, sem1):
        c = lax.axis_index("c")
        s = lax.axis_index("s")
        wid = c * 16 + s

        pltpu.sync_copy(zeros_hbm.at[pl.ds(0, _ROWS_PER_SUB)],
                        acc.at[pl.ds(s * _ROWS_PER_SUB, _ROWS_PER_SUB)])

        lo = (wid * _NBLK) // _NW
        hi = ((wid + 1) * _NBLK) // _NW
        t = hi - lo
        cbase = chunk_off + lo
        a0 = pl.multiple_of((cbase >> 3) << 3, 8)
        ishift = cbase - a0
        pltpu.sync_copy(idx2_hbm.at[pl.ds(a0, _IDXROWS)], idxv)

        def start(buf, sem, i):
            off = pl.multiple_of((lo + i) * _C, 8)
            pltpu.async_copy(x_hbm.at[pl.ds(off, _C)], buf, sem)

        def wait(buf, sem, i):
            off = pl.multiple_of((lo + i) * _C, 8)
            pltpu.make_async_copy(x_hbm.at[pl.ds(off, _C)], buf, sem).wait()

        def scat(buf, i):
            pltpu.sync_copy(buf, acc.at[idxv.at[ishift + i]], add=True)

        plsc.subcore_barrier()
        start(xb0, sem0, 0)

        def pair(p, carry):
            i0 = 2 * p
            i1 = i0 + 1

            @pl.when(i1 < t)
            def _():
                start(xb1, sem1, i1)

            wait(xb0, sem0, i0)
            scat(xb0, i0)

            @pl.when(i1 < t)
            def _():
                @pl.when(i1 + 1 < t)
                def _():
                    start(xb0, sem0, i1 + 1)

                wait(xb1, sem1, i1)
                scat(xb1, i1)

            return carry

        lax.fori_loop(0, (t + 1) // 2, pair, 0)
        plsc.subcore_barrier()

        pltpu.sync_copy(acc.at[pl.ds(s * _ROWS_PER_SUB, _ROWS_PER_SUB)],
                        out_hbm.at[c].at[pl.ds(s * _ROWS_PER_SUB, _ROWS_PER_SUB)])

    return _sc_scatter_body


def _stage2(x_part, idx2, zeros_rows, chunk_off):
    mesh = plsc.VectorSubcoreMesh(core_axis_name="c", subcore_axis_name="s")
    f = pl.kernel(
        _make_sc_body(chunk_off),
        out_type=jax.ShapeDtypeStruct((2, _N_PAD, D), jnp.float32),
        mesh=mesh,
        scratch_types=[
            pltpu.VMEM((_C, D), jnp.float32),
            pltpu.VMEM((_C, D), jnp.float32),
            pltpu.VMEM((_IDXROWS, _C), jnp.int32),
            pltpu.VMEM_SHARED((_N_PAD, D), jnp.float32),
            pltpu.SemaphoreType.DMA,
            pltpu.SemaphoreType.DMA,
        ],
    )
    return f(x_part, idx2, zeros_rows)



_BA = 2000


def _ssilu(x):
    sig = 1.0 / (1.0 + jnp.exp(-x))
    return x * sig * (1.0 / 0.6)


def _stage3_body(psc_ref, ptc_ref, wa0_ref, wb0_ref, wa1_ref, wb1_ref, o_ref):
    x = psc_ref[0] + psc_ref[1] + ptc_ref[...]
    for wa, wb in ((wa0_ref, wb0_ref), (wa1_ref, wb1_ref)):
        y = _ssilu(jnp.dot(x, wa[...], preferred_element_type=jnp.float32))
        y = _ssilu(jnp.dot(y, wb[...], preferred_element_type=jnp.float32))
        x = (x + y) * INV_SQRT_2
    o_ref[...] = x


def _stage3(p_sc, p_tc, wa0, wb0, wa1, wb1):
    grid = N_ATOMS // _BA
    wspec = pl.BlockSpec((D, D), lambda g: (0, 0))
    return pl.pallas_call(
        _stage3_body,
        grid=(grid,),
        in_specs=[
            pl.BlockSpec((2, _BA, D), lambda g: (0, g, 0)),
            pl.BlockSpec((_BA, D), lambda g: (g, 0)),
            wspec, wspec, wspec, wspec,
        ],
        out_specs=pl.BlockSpec((_BA, D), lambda g: (g, 0)),
        out_shape=jax.ShapeDtypeStruct((N_ATOMS, D), jnp.float32),
    )(p_sc, p_tc, wa0, wb0, wa1, wb1)



def kernel(h, m, basis_rad, idx_atom, W_rbf, scale_sum, W_r0a, W_r0b, W_r1a, W_r1b):
    del h
    w_eff = W_rbf * scale_sum
    basis_t = basis_rad.T
    idx2 = jnp.concatenate(
        [idx_atom, jnp.zeros((_IDXPAD_ROWS * _C - N_EDGES,), jnp.int32)]
    ).reshape(_IDXPAD_ROWS, _C)
    zeros_rows = jnp.zeros((_ROWS_PER_SUB, D), jnp.float32)
    x_sc = _stage1(m, basis_t, w_eff, _E_SC, _E_TC // _BG)
    p_sc = _stage2(x_sc, idx2, zeros_rows, _SC_OFF)
    p_tc = _stage1a(m, basis_t, w_eff, idx_atom)
    return _stage3(p_sc, p_tc, W_r0a, W_r0b, W_r1a, W_r1b)

# --- scband reference (transcript-rebuilt; emitter-appended) ---
"""Pipeline reference for scband-atom-update-block-72679436583219 (READ-ONLY COPY).

The authoritative reference and input builder live on the scoring server;
editing this copy changes nothing except your own understanding.
"""

import math
import jax, jax.numpy as jnp
import numpy as np

N_ATOMS = 10000
N_EDGES = 320000
D_ATOM = 128
D_EDGE = 128
D_RBF = 16
N_HIDDEN = 2
INV_SQRT_2 = 1.0 / math.sqrt(2.0)


def scaled_silu(x):
    # GemNet's ScaledSiLU: silu(x) * 1/0.6
    return jax.nn.silu(x) * (1.0 / 0.6)


def setup_inputs(seed: int = 0) -> dict:
    key = jax.random.key(seed)
    ks = jax.random.split(key, 10)
    h = jax.random.normal(ks[0], (N_ATOMS, D_ATOM), dtype=jnp.float32)
    m = jax.random.normal(ks[1], (N_EDGES, D_EDGE), dtype=jnp.float32)
    basis_rad = jax.random.normal(ks[2], (N_EDGES, D_RBF), dtype=jnp.float32)
    idx_atom = jnp.sort(jax.random.randint(ks[3], (N_EDGES,), 0, N_ATOMS, dtype=jnp.int32))
    # Dense(emb_size_rbf -> emb_size_edge), no bias
    W_rbf = jax.random.normal(ks[4], (D_RBF, D_EDGE), dtype=jnp.float32) / math.sqrt(D_RBF)
    # ScaleFactor scalar (initialized to 1.0 as in GemNet)
    scale_sum = jnp.ones((), dtype=jnp.float32)
    # nHidden=2 ResidualLayers, each with 2 Dense(128->128, bias=False)
    W_r0a = jax.random.normal(ks[5], (D_ATOM, D_ATOM), dtype=jnp.float32) / math.sqrt(D_ATOM)
    W_r0b = jax.random.normal(ks[6], (D_ATOM, D_ATOM), dtype=jnp.float32) / math.sqrt(D_ATOM)
    W_r1a = jax.random.normal(ks[7], (D_ATOM, D_ATOM), dtype=jnp.float32) / math.sqrt(D_ATOM)
    W_r1b = jax.random.normal(ks[8], (D_ATOM, D_ATOM), dtype=jnp.float32) / math.sqrt(D_ATOM)
    return {
        "h": h,
        "m": m,
        "basis_rad": basis_rad,
        "idx_atom": idx_atom,
        "W_rbf": W_rbf,
        "scale_sum": scale_sum,
        "W_r0a": W_r0a,
        "W_r0b": W_r0b,
        "W_r1a": W_r1a,
        "W_r1b": W_r1b,
    }


def reference(h, m, basis_rad, idx_atom, W_rbf, scale_sum, W_r0a, W_r0b, W_r1a, W_r1b):
    nAtoms = h.shape[0]
    # dense_rbf: Dense(emb_size_rbf, emb_size_edge, activation=None, bias=False)
    bases_emb = basis_rad @ W_rbf  # [E, D_EDGE]
    x = m * bases_emb  # [E, D_EDGE]
    # scatter_det(..., reduce='sum') -> segment_sum over destination atoms
    x2 = jax.ops.segment_sum(x, idx_atom, num_segments=nAtoms)  # [N, D_EDGE]
    # ScaleFactor
    x = x2 * scale_sum
    # MLP: units_in == units (128 == 128), so only residual layers
    for (W_a, W_b) in ((W_r0a, W_r0b), (W_r1a, W_r1b)):
        y = scaled_silu(x @ W_a)
        y = scaled_silu(y @ W_b)
        x = (x + y) * INV_SQRT_2
    return x

if __name__ == "__main__":
    import jax
    _d = setup_inputs()
    print(jax.jit(kernel)(*tuple(_d.values())))

</pallas_src>

<mosaic_0001>
#map = affine_map<(d0, d1) -> (0, 0)>
#map1 = affine_map<(d0, d1) -> (0, 0, 0)>
module attributes {stable_mosaic.version = 14 : i64} {
  func.func @_sc_scatter_body(%arg0: i32, %arg1: i32, %arg2: memref<217600x128xf32, #tpu.memory_space<hbm>>, %arg3: memref<2552x128xi32, #tpu.memory_space<hbm>>, %arg4: memref<640x128xf32, #tpu.memory_space<hbm>>, %arg5: memref<2x10240x128xf32, #tpu.memory_space<hbm>>, %arg6: memref<128x128xf32, #tpu.memory_space<vmem>>, %arg7: memref<128x128xf32, #tpu.memory_space<vmem>>, %arg8: memref<88x128xi32, #tpu.memory_space<vmem>>, %arg9: memref<10240x128xf32, #tpu.memory_space<vmem_shared>>, %arg10: memref<!tpu.dma_semaphore, #tpu.memory_space<semaphore_mem>>, %arg11: memref<!tpu.dma_semaphore, #tpu.memory_space<semaphore_mem>>) attributes {dimension_semantics = [#tpu.dimension_semantics<core_parallel>, #tpu.dimension_semantics<subcore_parallel>], iteration_bounds = array<i64: 2, 16>, scalar_prefetch = 0 : i64, scratch_operands = 6 : i64, tpu.core_type = #tpu.core_type<sc_vector_subcore>, window_params = [{transform_indices = #map}, {transform_indices = #map}, {transform_indices = #map}, {transform_indices = #map1}]} {
    %mul3A = arith.constant 16 : i32
    %mul3A_0 = arith.muli %arg0, %mul3A : i32
    %add3A = arith.addi %mul3A_0, %arg1 : i32
    %mul3A_1 = arith.constant 640 : i32
    %mul3A_2 = arith.muli %arg1, %mul3A_1 : i32
    "tpu.region"() ({
      %run_scoped3A = tpu.sem_alloc : memref<!tpu.dma_semaphore, #tpu.memory_space<semaphore_mem>>
      %dma_start3A_103 = arith.constant 0 : i32
      %dma_start3A_104 = tpu.memref_slice %arg9[%mul3A_2, %dma_start3A_103] : memref<10240x128xf32, #tpu.memory_space<vmem_shared>> -> memref<640x128xf32, #tpu.memory_space<vmem_shared>>
      %dma_start3A_105 = arith.constant 0 : i32
      %dma_start3A_106 = arith.constant 0 : i32
      %dma_start3A_107 = tpu.memref_slice %arg4[%dma_start3A_105, %dma_start3A_106] : memref<640x128xf32, #tpu.memory_space<hbm>> -> memref<640x128xf32, #tpu.memory_space<hbm>>
      tpu.enqueue_dma source(%dma_start3A_107 : memref<640x128xf32, #tpu.memory_space<hbm>>) target(%dma_start3A_104 : memref<640x128xf32, #tpu.memory_space<vmem_shared>>) target_semaphore(%run_scoped3A : memref<!tpu.dma_semaphore, #tpu.memory_space<semaphore_mem>>)
      %dma_wait3A = arith.constant 0 : i32
      %dma_wait3A_108 = tpu.memref_slice %arg9[%mul3A_2, %dma_wait3A] : memref<10240x128xf32, #tpu.memory_space<vmem_shared>> -> memref<640x128xf32, #tpu.memory_space<vmem_shared>>
      %dma_wait3A_109 = arith.constant 0 : i32
      %dma_wait3A_110 = arith.constant 0 : i32
      %dma_wait3A_111 = tpu.memref_slice %arg4[%dma_wait3A_109, %dma_wait3A_110] : memref<640x128xf32, #tpu.memory_space<hbm>> -> memref<640x128xf32, #tpu.memory_space<hbm>>
      tpu.wait_dma2 semaphore(%run_scoped3A : memref<!tpu.dma_semaphore, #tpu.memory_space<semaphore_mem>>) src(%dma_wait3A_111 : memref<640x128xf32, #tpu.memory_space<hbm>>) dst(%dma_wait3A_108 : memref<640x128xf32, #tpu.memory_space<vmem_shared>>)
      tpu.yield
    }) : () -> ()
    %mul3A_3 = arith.constant 1700 : i32
    %mul3A_4 = arith.muli %add3A, %mul3A_3 : i32
    %jit3A = arith.constant 32 : i32
    %div3A = arith.divsi %mul3A_4, %jit3A : i32
    %sign3A = arith.constant 0 : i32
    %sign3A_5 = arith.cmpi sgt, %mul3A_4, %sign3A : i32
    %sign3A_6 = arith.extui %sign3A_5 : i1 to i32
    %sign3A_7 = arith.constant 0 : i32
    %sign3A_8 = arith.cmpi slt, %mul3A_4, %sign3A_7 : i32
    %sign3A_9 = arith.extui %sign3A_8 : i1 to i32
    %sign3A_10 = arith.subi %sign3A_6, %sign3A_9 : i32
    %sign3A_11 = arith.constant 0 : i32
    %sign3A_12 = arith.cmpi sgt, %jit3A, %sign3A_11 : i32
    %sign3A_13 = arith.extui %sign3A_12 : i1 to i32
    %sign3A_14 = arith.constant 0 : i32
    %sign3A_15 = arith.cmpi slt, %jit3A, %sign3A_14 : i32
    %sign3A_16 = arith.extui %sign3A_15 : i1 to i32
    %sign3A_17 = arith.subi %sign3A_13, %sign3A_16 : i32
    %ne3A = arith.cmpi ne, %sign3A_10, %sign3A_17 : i32
    %rem3A = arith.remsi %mul3A_4, %jit3A : i32
    %ne3A_18 = arith.constant 0 : i32
    %ne3A_19 = arith.cmpi ne, %rem3A, %ne3A_18 : i32
    %and3A = arith.andi %ne3A, %ne3A_19 : i1
    %sub3A = arith.constant 1 : i32
    %sub3A_20 = arith.subi %div3A, %sub3A : i32
    %select_n3A = arith.select %and3A, %sub3A_20, %div3A : i32
    %add3A_21 = arith.constant 1 : i32
    %add3A_22 = arith.addi %add3A, %add3A_21 : i32
    %mul3A_23 = arith.constant 1700 : i32
    %mul3A_24 = arith.muli %add3A_22, %mul3A_23 : i32
    %jit3A_25 = arith.constant 32 : i32
    %div3A_26 = arith.divsi %mul3A_24, %jit3A_25 : i32
    %sign3A_27 = arith.constant 0 : i32
    %sign3A_28 = arith.cmpi sgt, %mul3A_24, %sign3A_27 : i32
    %sign3A_29 = arith.extui %sign3A_28 : i1 to i32
    %sign3A_30 = arith.constant 0 : i32
    %sign3A_31 = arith.cmpi slt, %mul3A_24, %sign3A_30 : i32
    %sign3A_32 = arith.extui %sign3A_31 : i1 to i32
    %sign3A_33 = arith.subi %sign3A_29, %sign3A_32 : i32
    %sign3A_34 = arith.constant 0 : i32
    %sign3A_35 = arith.cmpi sgt, %jit3A_25, %sign3A_34 : i32
    %sign3A_36 = arith.extui %sign3A_35 : i1 to i32
    %sign3A_37 = arith.constant 0 : i32
    %sign3A_38 = arith.cmpi slt, %jit3A_25, %sign3A_37 : i32
    %sign3A_39 = arith.extui %sign3A_38 : i1 to i32
    %sign3A_40 = arith.subi %sign3A_36, %sign3A_39 : i32
    %ne3A_41 = arith.cmpi ne, %sign3A_33, %sign3A_40 : i32
    %rem3A_42 = arith.remsi %mul3A_24, %jit3A_25 : i32
    %ne3A_43 = arith.constant 0 : i32
    %ne3A_44 = arith.cmpi ne, %rem3A_42, %ne3A_43 : i32
    %and3A_45 = arith.andi %ne3A_41, %ne3A_44 : i1
    %sub3A_46 = arith.constant 1 : i32
    %sub3A_47 = arith.subi %div3A_26, %sub3A_46 : i32
    %select_n3A_48 = arith.select %and3A_45, %sub3A_47, %div3A_26 : i32
    %sub3A_49 = arith.subi %select_n3A_48, %select_n3A : i32
    %add3A_50 = arith.constant 800 : i32
    %add3A_51 = arith.addi %add3A_50, %select_n3A : i32
    %shift_right_arithmetic3A = arith.constant 3 : i32
    %shift_right_arithmetic3A_52 = arith.shrsi %add3A_51, %shift_right_arithmetic3A : i32
    %shift_left3A = arith.constant 3 : i32
    %shift_left3A_53 = arith.shli %shift_right_arithmetic3A_52, %shift_left3A : i32
    %multiple_of3A = tpu.assume_multiple %shift_left3A_53, 8 : i32
    %sub3A_54 = arith.subi %add3A_51, %multiple_of3A : i32
    "tpu.region"() ({
      %run_scoped3A = tpu.sem_alloc : memref<!tpu.dma_semaphore, #tpu.memory_space<semaphore_mem>>
      %dma_start3A_103 = arith.constant 0 : i32
      %dma_start3A_104 = tpu.memref_slice %arg3[%multiple_of3A, %dma_start3A_103] : memref<2552x128xi32, #tpu.memory_space<hbm>> -> memref<88x128xi32, #tpu.memory_space<hbm>>
      %dma_start3A_105 = arith.constant 0 : i32
      %dma_start3A_106 = tpu.memref_slice %arg3[%multiple_of3A, %dma_start3A_105] : memref<2552x128xi32, #tpu.memory_space<hbm>> -> memref<88x128xi32, #tpu.memory_space<hbm>>
      tpu.enqueue_dma source(%dma_start3A_106 : memref<88x128xi32, #tpu.memory_space<hbm>>) target(%arg8 : memref<88x128xi32, #tpu.memory_space<vmem>>) target_semaphore(%run_scoped3A : memref<!tpu.dma_semaphore, #tpu.memory_space<semaphore_mem>>)
      %dma_wait3A = arith.constant 0 : i32
      %dma_wait3A_107 = tpu.memref_slice %arg3[%multiple_of3A, %dma_wait3A] : memref<2552x128xi32, #tpu.memory_space<hbm>> -> memref<88x128xi32, #tpu.memory_space<hbm>>
      %dma_wait3A_108 = arith.constant 0 : i32
      %dma_wait3A_109 = tpu.memref_slice %arg3[%multiple_of3A, %dma_wait3A_108] : memref<2552x128xi32, #tpu.memory_space<hbm>> -> memref<88x128xi32, #tpu.memory_space<hbm>>
      tpu.wait_dma2 semaphore(%run_scoped3A : memref<!tpu.dma_semaphore, #tpu.memory_space<semaphore_mem>>) src(%dma_wait3A_109 : memref<88x128xi32, #tpu.memory_space<hbm>>) dst(%arg8 : memref<88x128xi32, #tpu.memory_space<vmem>>)
      tpu.yield
    }) : () -> ()
    %barrier3A = arith.constant 0 : index
    tpu.barrier barrier_id(%barrier3A)
    %add3A_55 = arith.constant 0 : i32
    %add3A_56 = arith.addi %select_n3A, %add3A_55 : i32
    %mul3A_57 = arith.constant 128 : i32
    %mul3A_58 = arith.muli %add3A_56, %mul3A_57 : i32
    %multiple_of3A_59 = tpu.assume_multiple %mul3A_58, 8 : i32
    %dma_start3A = arith.constant 0 : i32
    %dma_start3A_60 = tpu.memref_slice %arg2[%multiple_of3A_59, %dma_start3A] : memref<217600x128xf32, #tpu.memory_space<hbm>> -> memref<128x128xf32, #tpu.memory_space<hbm>>
    %dma_start3A_61 = arith.constant 0 : i32
    %dma_start3A_62 = tpu.memref_slice %arg2[%multiple_of3A_59, %dma_start3A_61] : memref<217600x128xf32, #tpu.memory_space<hbm>> -> memref<128x128xf32, #tpu.memory_space<hbm>>
    tpu.enqueue_dma source(%dma_start3A_62 : memref<128x128xf32, #tpu.memory_space<hbm>>) target(%arg6 : memref<128x128xf32, #tpu.memory_space<vmem>>) target_semaphore(%arg10 : memref<!tpu.dma_semaphore, #tpu.memory_space<semaphore_mem>>)
    %add3A_63 = arith.constant 1 : i32
    %add3A_64 = arith.addi %sub3A_49, %add3A_63 : i32
    %jit3A_65 = arith.constant 2 : i32
    %div3A_66 = arith.divsi %add3A_64, %jit3A_65 : i32
    %sign3A_67 = arith.constant 0 : i32
    %sign3A_68 = arith.cmpi sgt, %add3A_64, %sign3A_67 : i32
    %sign3A_69 = arith.extui %sign3A_68 : i1 to i32
    %sign3A_70 = arith.constant 0 : i32
    %sign3A_71 = arith.cmpi slt, %add3A_64, %sign3A_70 : i32
    %sign3A_72 = arith.extui %sign3A_71 : i1 to i32
    %sign3A_73 = arith.subi %sign3A_69, %sign3A_72 : i32
    %sign3A_74 = arith.constant 0 : i32
    %sign3A_75 = arith.cmpi sgt, %jit3A_65, %sign3A_74 : i32
    %sign3A_76 = arith.extui %sign3A_75 : i1 to i32
    %sign3A_77 = arith.constant 0 : i32
    %sign3A_78 = arith.cmpi slt, %jit3A_65, %sign3A_77 : i32
    %sign3A_79 = arith.extui %sign3A_78 : i1 to i32
    %sign3A_80 = arith.subi %sign3A_76, %sign3A_79 : i32
    %ne3A_81 = arith.cmpi ne, %sign3A_73, %sign3A_80 : i32
    %rem3A_82 = arith.remsi %add3A_64, %jit3A_65 : i32
    %ne3A_83 = arith.constant 0 : i32
    %ne3A_84 = arith.cmpi ne, %rem3A_82, %ne3A_83 : i32
    %and3A_85 = arith.andi %ne3A_81, %ne3A_84 : i1
    %sub3A_86 = arith.constant 1 : i32
    %sub3A_87 = arith.subi %div3A_66, %sub3A_86 : i32
    %select_n3A_88 = arith.select %and3A_85, %sub3A_87, %div3A_66 : i32
    %while3A = arith.constant 0 : i32
    %while3A_89 = arith.constant 0 : i32
    %while3A_90 = arith.subi %select_n3A_88, %while3A_89 : i32
    %while3A_91 = arith.addi %while3A_89, %while3A_90 : i32
    %while3A_92 = arith.constant 1 : i32
    %while3A_93 = arith.divsi %while3A_90, %while3A_92 : i32
    %while3A_94 = arith.muli %while3A_93, %while3A_92 : i32
    %while3A_95 = arith.addi %while3A_89, %while3A_94 : i32
    %while3A_96 = arith.constant 1 : i32
    scf.for %while3A_103 = %while3A_89 to %while3A_95 step %while3A_96  : i32 {
      %mul3A_104 = arith.constant 2 : i32
      %mul3A_105 = arith.muli %mul3A_104, %while3A_103 : i32
      %add3A_106 = arith.constant 1 : i32
      %add3A_107 = arith.addi %mul3A_105, %add3A_106 : i32
      %lt3A = arith.cmpi slt, %add3A_107, %sub3A_49 : i32
      %convert_element_type3A = arith.extui %lt3A : i1 to i32
      %cond3A = arith.constant 0 : i32
      %cond3A_108 = arith.cmpi ne, %convert_element_type3A, %cond3A : i32
      scf.if %cond3A_108 {
        %add3A_121 = arith.addi %select_n3A, %add3A_107 : i32
        %mul3A_122 = arith.constant 128 : i32
        %mul3A_123 = arith.muli %add3A_121, %mul3A_122 : i32
        %multiple_of3A_124 = tpu.assume_multiple %mul3A_123, 8 : i32
        %dma_start3A_125 = arith.constant 0 : i32
        %dma_start3A_126 = tpu.memref_slice %arg2[%multiple_of3A_124, %dma_start3A_125] : memref<217600x128xf32, #tpu.memory_space<hbm>> -> memref<128x128xf32, #tpu.memory_space<hbm>>
        %dma_start3A_127 = arith.constant 0 : i32
        %dma_start3A_128 = tpu.memref_slice %arg2[%multiple_of3A_124, %dma_start3A_127] : memref<217600x128xf32, #tpu.memory_space<hbm>> -> memref<128x128xf32, #tpu.memory_space<hbm>>
        tpu.enqueue_dma source(%dma_start3A_128 : memref<128x128xf32, #tpu.memory_space<hbm>>) target(%arg7 : memref<128x128xf32, #tpu.memory_space<vmem>>) target_semaphore(%arg11 : memref<!tpu.dma_semaphore, #tpu.memory_space<semaphore_mem>>)
      } else {
      }
      %add3A_109 = arith.addi %select_n3A, %mul3A_105 : i32
      %mul3A_110 = arith.constant 128 : i32
      %mul3A_111 = arith.muli %add3A_109, %mul3A_110 : i32
      %multiple_of3A_112 = tpu.assume_multiple %mul3A_111, 8 : i32
      %dma_wait3A = arith.constant 0 : i32
      %dma_wait3A_113 = tpu.memref_slice %arg2[%multiple_of3A_112, %dma_wait3A] : memref<217600x128xf32, #tpu.memory_space<hbm>> -> memref<128x128xf32, #tpu.memory_space<hbm>>
      %dma_wait3A_114 = arith.constant 0 : i32
      %dma_wait3A_115 = tpu.memref_slice %arg2[%multiple_of3A_112, %dma_wait3A_114] : memref<217600x128xf32, #tpu.memory_space<hbm>> -> memref<128x128xf32, #tpu.memory_space<hbm>>
      tpu.wait_dma2 semaphore(%arg10 : memref<!tpu.dma_semaphore, #tpu.memory_space<semaphore_mem>>) src(%dma_wait3A_115 : memref<128x128xf32, #tpu.memory_space<hbm>>) dst(%arg6 : memref<128x128xf32, #tpu.memory_space<vmem>>)
      %add3A_116 = arith.addi %sub3A_54, %mul3A_105 : i32
      "tpu.region"() ({
        %run_scoped3A = tpu.sem_alloc : memref<!tpu.dma_semaphore, #tpu.memory_space<semaphore_mem>>
        %dma_start3A_121 = arith.constant 0 : i32
        %dma_start3A_122 = tpu.memref_slice %arg8[%add3A_116, %dma_start3A_121] : memref<88x128xi32, #tpu.memory_space<vmem>> -> memref<1x128xi32, #tpu.memory_space<vmem>>
        %dma_start3A_123 = tpu.memref_squeeze %dma_start3A_122 : memref<1x128xi32, #tpu.memory_space<vmem>> -> memref<128xi32, #tpu.memory_space<vmem>>
        %dma_start3A_124 = arith.constant 0 : i32
        %dma_start3A_125 = arith.constant 0 : i32
        %dma_start3A_126 = tpu.memref_slice %arg9[%dma_start3A_124, %dma_start3A_125] : memref<10240x128xf32, #tpu.memory_space<vmem_shared>> -> memref<10240x128xf32, #tpu.memory_space<vmem_shared>>
        tpu.enqueue_indirect_dma source(%arg6 : memref<128x128xf32, #tpu.memory_space<vmem>>) target(%dma_start3A_126 : memref<10240x128xf32, #tpu.memory_space<vmem_shared>>) offsets(%dma_start3A_123 : memref<128xi32, #tpu.memory_space<vmem>>) semaphore(%run_scoped3A : memref<!tpu.dma_semaphore, #tpu.memory_space<semaphore_mem>>) {add = true}
        %dma_wait3A_127 = arith.constant 0 : i32
        %dma_wait3A_128 = tpu.memref_slice %arg8[%add3A_116, %dma_wait3A_127] : memref<88x128xi32, #tpu.memory_space<vmem>> -> memref<1x128xi32, #tpu.memory_space<vmem>>
        %dma_wait3A_129 = tpu.memref_squeeze %dma_wait3A_128 : memref<1x128xi32, #tpu.memory_space<vmem>> -> memref<128xi32, #tpu.memory_space<vmem>>
        %dma_wait3A_130 = arith.constant 0 : i32
        %dma_wait3A_131 = arith.constant 0 : i32
        %dma_wait3A_132 = tpu.memref_slice %arg9[%dma_wait3A_130, %dma_wait3A_131] : memref<10240x128xf32, #tpu.memory_space<vmem_shared>> -> memref<10240x128xf32, #tpu.memory_space<vmem_shared>>
        tpu.wait_indirect_dma semaphore(%run_scoped3A : memref<!tpu.dma_semaphore, #tpu.memory_space<semaphore_mem>>) src(%arg6 : memref<128x128xf32, #tpu.memory_space<vmem>>) dst(%dma_wait3A_132 : memref<10240x128xf32, #tpu.memory_space<vmem_shared>>)
        tpu.yield
      }) : () -> ()
      %lt3A_117 = arith.cmpi slt, %add3A_107, %sub3A_49 : i32
      %convert_element_type3A_118 = arith.extui %lt3A_117 : i1 to i32
      %cond3A_119 = arith.constant 0 : i32
      %cond3A_120 = arith.cmpi ne, %convert_element_type3A_118, %cond3A_119 : i32
      scf.if %cond3A_120 {
        %add3A_121 = arith.constant 1 : i32
        %add3A_122 = arith.addi %add3A_107, %add3A_121 : i32
        %lt3A_123 = arith.cmpi slt, %add3A_122, %sub3A_49 : i32
        %convert_element_type3A_124 = arith.extui %lt3A_123 : i1 to i32
        %cond3A_125 = arith.constant 0 : i32
        %cond3A_126 = arith.cmpi ne, %convert_element_type3A_124, %cond3A_125 : i32
        scf.if %cond3A_126 {
          %add3A_136 = arith.constant 1 : i32
          %add3A_137 = arith.addi %add3A_107, %add3A_136 : i32
          %add3A_138 = arith.addi %select_n3A, %add3A_137 : i32
          %mul3A_139 = arith.constant 128 : i32
          %mul3A_140 = arith.muli %add3A_138, %mul3A_139 : i32
          %multiple_of3A_141 = tpu.assume_multiple %mul3A_140, 8 : i32
          %dma_start3A_142 = arith.constant 0 : i32
          %dma_start3A_143 = tpu.memref_slice %arg2[%multiple_of3A_141, %dma_start3A_142] : memref<217600x128xf32, #tpu.memory_space<hbm>> -> memref<128x128xf32, #tpu.memory_space<hbm>>
          %dma_start3A_144 = arith.constant 0 : i32
          %dma_start3A_145 = tpu.memref_slice %arg2[%multiple_of3A_141, %dma_start3A_144] : memref<217600x128xf32, #tpu.memory_space<hbm>> -> memref<128x128xf32, #tpu.memory_space<hbm>>
          tpu.enqueue_dma source(%dma_start3A_145 : memref<128x128xf32, #tpu.memory_space<hbm>>) target(%arg6 : memref<128x128xf32, #tpu.memory_space<vmem>>) target_semaphore(%arg10 : memref<!tpu.dma_semaphore, #tpu.memory_space<semaphore_mem>>)
        } else {
        }
        %add3A_127 = arith.addi %select_n3A, %add3A_107 : i32
        %mul3A_128 = arith.constant 128 : i32
        %mul3A_129 = arith.muli %add3A_127, %mul3A_128 : i32
        %multiple_of3A_130 = tpu.assume_multiple %mul3A_129, 8 : i32
        %dma_wait3A_131 = arith.constant 0 : i32
        %dma_wait3A_132 = tpu.memref_slice %arg2[%multiple_of3A_130, %dma_wait3A_131] : memref<217600x128xf32, #tpu.memory_space<hbm>> -> memref<128x128xf32, #tpu.memory_space<hbm>>
        %dma_wait3A_133 = arith.constant 0 : i32
        %dma_wait3A_134 = tpu.memref_slice %arg2[%multiple_of3A_130, %dma_wait3A_133] : memref<217600x128xf32, #tpu.memory_space<hbm>> -> memref<128x128xf32, #tpu.memory_space<hbm>>
        tpu.wait_dma2 semaphore(%arg11 : memref<!tpu.dma_semaphore, #tpu.memory_space<semaphore_mem>>) src(%dma_wait3A_134 : memref<128x128xf32, #tpu.memory_space<hbm>>) dst(%arg7 : memref<128x128xf32, #tpu.memory_space<vmem>>)
        %add3A_135 = arith.addi %sub3A_54, %add3A_107 : i32
        "tpu.region"() ({
          %run_scoped3A = tpu.sem_alloc : memref<!tpu.dma_semaphore, #tpu.memory_space<semaphore_mem>>
          %dma_start3A_136 = arith.constant 0 : i32
          %dma_start3A_137 = tpu.memref_slice %arg8[%add3A_135, %dma_start3A_136] : memref<88x128xi32, #tpu.memory_space<vmem>> -> memref<1x128xi32, #tpu.memory_space<vmem>>
          %dma_start3A_138 = tpu.memref_squeeze %dma_start3A_137 : memref<1x128xi32, #tpu.memory_space<vmem>> -> memref<128xi32, #tpu.memory_space<vmem>>
          %dma_start3A_139 = arith.constant 0 : i32
          %dma_start3A_140 = arith.constant 0 : i32
          %dma_start3A_141 = tpu.memref_slice %arg9[%dma_start3A_139, %dma_start3A_140] : memref<10240x128xf32, #tpu.memory_space<vmem_shared>> -> memref<10240x128xf32, #tpu.memory_space<vmem_shared>>
          tpu.enqueue_indirect_dma source(%arg7 : memref<128x128xf32, #tpu.memory_space<vmem>>) target(%dma_start3A_141 : memref<10240x128xf32, #tpu.memory_space<vmem_shared>>) offsets(%dma_start3A_138 : memref<128xi32, #tpu.memory_space<vmem>>) semaphore(%run_scoped3A : memref<!tpu.dma_semaphore, #tpu.memory_space<semaphore_mem>>) {add = true}
          %dma_wait3A_142 = arith.constant 0 : i32
          %dma_wait3A_143 = tpu.memref_slice %arg8[%add3A_135, %dma_wait3A_142] : memref<88x128xi32, #tpu.memory_space<vmem>> -> memref<1x128xi32, #tpu.memory_space<vmem>>
          %dma_wait3A_144 = tpu.memref_squeeze %dma_wait3A_143 : memref<1x128xi32, #tpu.memory_space<vmem>> -> memref<128xi32, #tpu.memory_space<vmem>>
          %dma_wait3A_145 = arith.constant 0 : i32
          %dma_wait3A_146 = arith.constant 0 : i32
          %dma_wait3A_147 = tpu.memref_slice %arg9[%dma_wait3A_145, %dma_wait3A_146] : memref<10240x128xf32, #tpu.memory_space<vmem_shared>> -> memref<10240x128xf32, #tpu.memory_space<vmem_shared>>
          tpu.wait_indirect_dma semaphore(%run_scoped3A : memref<!tpu.dma_semaphore, #tpu.memory_space<semaphore_mem>>) src(%arg7 : memref<128x128xf32, #tpu.memory_space<vmem>>) dst(%dma_wait3A_147 : memref<10240x128xf32, #tpu.memory_space<vmem_shared>>)
          tpu.yield
        }) : () -> ()
      } else {
      }
    }
    %while3A_97 = arith.constant 1 : i32
    scf.for %while3A_103 = %while3A_95 to %while3A_91 step %while3A_97  : i32 {
      %mul3A_104 = arith.constant 2 : i32
      %mul3A_105 = arith.muli %mul3A_104, %while3A_103 : i32
      %add3A_106 = arith.constant 1 : i32
      %add3A_107 = arith.addi %mul3A_105, %add3A_106 : i32
      %lt3A = arith.cmpi slt, %add3A_107, %sub3A_49 : i32
      %convert_element_type3A = arith.extui %lt3A : i1 to i32
      %cond3A = arith.constant 0 : i32
      %cond3A_108 = arith.cmpi ne, %convert_element_type3A, %cond3A : i32
      scf.if %cond3A_108 {
        %add3A_121 = arith.addi %select_n3A, %add3A_107 : i32
        %mul3A_122 = arith.constant 128 : i32
        %mul3A_123 = arith.muli %add3A_121, %mul3A_122 : i32
        %multiple_of3A_124 = tpu.assume_multiple %mul3A_123, 8 : i32
        %dma_start3A_125 = arith.constant 0 : i32
        %dma_start3A_126 = tpu.memref_slice %arg2[%multiple_of3A_124, %dma_start3A_125] : memref<217600x128xf32, #tpu.memory_space<hbm>> -> memref<128x128xf32, #tpu.memory_space<hbm>>
        %dma_start3A_127 = arith.constant 0 : i32
        %dma_start3A_128 = tpu.memref_slice %arg2[%multiple_of3A_124, %dma_start3A_127] : memref<217600x128xf32, #tpu.memory_space<hbm>> -> memref<128x128xf32, #tpu.memory_space<hbm>>
        tpu.enqueue_dma source(%dma_start3A_128 : memref<128x128xf32, #tpu.memory_space<hbm>>) target(%arg7 : memref<128x128xf32, #tpu.memory_space<vmem>>) target_semaphore(%arg11 : memref<!tpu.dma_semaphore, #tpu.memory_space<semaphore_mem>>)
      } else {
      }
      %add3A_109 = arith.addi %select_n3A, %mul3A_105 : i32
      %mul3A_110 = arith.constant 128 : i32
      %mul3A_111 = arith.muli %add3A_109, %mul3A_110 : i32
      %multiple_of3A_112 = tpu.assume_multiple %mul3A_111, 8 : i32
      %dma_wait3A = arith.constant 0 : i32
      %dma_wait3A_113 = tpu.memref_slice %arg2[%multiple_of3A_112, %dma_wait3A] : memref<217600x128xf32, #tpu.memory_space<hbm>> -> memref<128x128xf32, #tpu.memory_space<hbm>>
      %dma_wait3A_114 = arith.constant 0 : i32
      %dma_wait3A_115 = tpu.memref_slice %arg2[%multiple_of3A_112, %dma_wait3A_114] : memref<217600x128xf32, #tpu.memory_space<hbm>> -> memref<128x128xf32, #tpu.memory_space<hbm>>
      tpu.wait_dma2 semaphore(%arg10 : memref<!tpu.dma_semaphore, #tpu.memory_space<semaphore_mem>>) src(%dma_wait3A_115 : memref<128x128xf32, #tpu.memory_space<hbm>>) dst(%arg6 : memref<128x128xf32, #tpu.memory_space<vmem>>)
      %add3A_116 = arith.addi %sub3A_54, %mul3A_105 : i32
      "tpu.region"() ({
        %run_scoped3A = tpu.sem_alloc : memref<!tpu.dma_semaphore, #tpu.memory_space<semaphore_mem>>
        %dma_start3A_121 = arith.constant 0 : i32
        %dma_start3A_122 = tpu.memref_slice %arg8[%add3A_116, %dma_start3A_121] : memref<88x128xi32, #tpu.memory_space<vmem>> -> memref<1x128xi32, #tpu.memory_space<vmem>>
        %dma_start3A_123 = tpu.memref_squeeze %dma_start3A_122 : memref<1x128xi32, #tpu.memory_space<vmem>> -> memref<128xi32, #tpu.memory_space<vmem>>
        %dma_start3A_124 = arith.constant 0 : i32
        %dma_start3A_125 = arith.constant 0 : i32
        %dma_start3A_126 = tpu.memref_slice %arg9[%dma_start3A_124, %dma_start3A_125] : memref<10240x128xf32, #tpu.memory_space<vmem_shared>> -> memref<10240x128xf32, #tpu.memory_space<vmem_shared>>
        tpu.enqueue_indirect_dma source(%arg6 : memref<128x128xf32, #tpu.memory_space<vmem>>) target(%dma_start3A_126 : memref<10240x128xf32, #tpu.memory_space<vmem_shared>>) offsets(%dma_start3A_123 : memref<128xi32, #tpu.memory_space<vmem>>) semaphore(%run_scoped3A : memref<!tpu.dma_semaphore, #tpu.memory_space<semaphore_mem>>) {add = true}
        %dma_wait3A_127 = arith.constant 0 : i32
        %dma_wait3A_128 = tpu.memref_slice %arg8[%add3A_116, %dma_wait3A_127] : memref<88x128xi32, #tpu.memory_space<vmem>> -> memref<1x128xi32, #tpu.memory_space<vmem>>
        %dma_wait3A_129 = tpu.memref_squeeze %dma_wait3A_128 : memref<1x128xi32, #tpu.memory_space<vmem>> -> memref<128xi32, #tpu.memory_space<vmem>>
        %dma_wait3A_130 = arith.constant 0 : i32
        %dma_wait3A_131 = arith.constant 0 : i32
        %dma_wait3A_132 = tpu.memref_slice %arg9[%dma_wait3A_130, %dma_wait3A_131] : memref<10240x128xf32, #tpu.memory_space<vmem_shared>> -> memref<10240x128xf32, #tpu.memory_space<vmem_shared>>
        tpu.wait_indirect_dma semaphore(%run_scoped3A : memref<!tpu.dma_semaphore, #tpu.memory_space<semaphore_mem>>) src(%arg6 : memref<128x128xf32, #tpu.memory_space<vmem>>) dst(%dma_wait3A_132 : memref<10240x128xf32, #tpu.memory_space<vmem_shared>>)
        tpu.yield
      }) : () -> ()
      %lt3A_117 = arith.cmpi slt, %add3A_107, %sub3A_49 : i32
      %convert_element_type3A_118 = arith.extui %lt3A_117 : i1 to i32
      %cond3A_119 = arith.constant 0 : i32
      %cond3A_120 = arith.cmpi ne, %convert_element_type3A_118, %cond3A_119 : i32
      scf.if %cond3A_120 {
        %add3A_121 = arith.constant 1 : i32
        %add3A_122 = arith.addi %add3A_107, %add3A_121 : i32
        %lt3A_123 = arith.cmpi slt, %add3A_122, %sub3A_49 : i32
        %convert_element_type3A_124 = arith.extui %lt3A_123 : i1 to i32
        %cond3A_125 = arith.constant 0 : i32
        %cond3A_126 = arith.cmpi ne, %convert_element_type3A_124, %cond3A_125 : i32
        scf.if %cond3A_126 {
          %add3A_136 = arith.constant 1 : i32
          %add3A_137 = arith.addi %add3A_107, %add3A_136 : i32
          %add3A_138 = arith.addi %select_n3A, %add3A_137 : i32
          %mul3A_139 = arith.constant 128 : i32
          %mul3A_140 = arith.muli %add3A_138, %mul3A_139 : i32
          %multiple_of3A_141 = tpu.assume_multiple %mul3A_140, 8 : i32
          %dma_start3A_142 = arith.constant 0 : i32
          %dma_start3A_143 = tpu.memref_slice %arg2[%multiple_of3A_141, %dma_start3A_142] : memref<217600x128xf32, #tpu.memory_space<hbm>> -> memref<128x128xf32, #tpu.memory_space<hbm>>
          %dma_start3A_144 = arith.constant 0 : i32
          %dma_start3A_145 = tpu.memref_slice %arg2[%multiple_of3A_141, %dma_start3A_144] : memref<217600x128xf32, #tpu.memory_space<hbm>> -> memref<128x128xf32, #tpu.memory_space<hbm>>
          tpu.enqueue_dma source(%dma_start3A_145 : memref<128x128xf32, #tpu.memory_space<hbm>>) target(%arg6 : memref<128x128xf32, #tpu.memory_space<vmem>>) target_semaphore(%arg10 : memref<!tpu.dma_semaphore, #tpu.memory_space<semaphore_mem>>)
        } else {
        }
        %add3A_127 = arith.addi %select_n3A, %add3A_107 : i32
        %mul3A_128 = arith.constant 128 : i32
        %mul3A_129 = arith.muli %add3A_127, %mul3A_128 : i32
        %multiple_of3A_130 = tpu.assume_multiple %mul3A_129, 8 : i32
        %dma_wait3A_131 = arith.constant 0 : i32
        %dma_wait3A_132 = tpu.memref_slice %arg2[%multiple_of3A_130, %dma_wait3A_131] : memref<217600x128xf32, #tpu.memory_space<hbm>> -> memref<128x128xf32, #tpu.memory_space<hbm>>
        %dma_wait3A_133 = arith.constant 0 : i32
        %dma_wait3A_134 = tpu.memref_slice %arg2[%multiple_of3A_130, %dma_wait3A_133] : memref<217600x128xf32, #tpu.memory_space<hbm>> -> memref<128x128xf32, #tpu.memory_space<hbm>>
        tpu.wait_dma2 semaphore(%arg11 : memref<!tpu.dma_semaphore, #tpu.memory_space<semaphore_mem>>) src(%dma_wait3A_134 : memref<128x128xf32, #tpu.memory_space<hbm>>) dst(%arg7 : memref<128x128xf32, #tpu.memory_space<vmem>>)
        %add3A_135 = arith.addi %sub3A_54, %add3A_107 : i32
        "tpu.region"() ({
          %run_scoped3A = tpu.sem_alloc : memref<!tpu.dma_semaphore, #tpu.memory_space<semaphore_mem>>
          %dma_start3A_136 = arith.constant 0 : i32
          %dma_start3A_137 = tpu.memref_slice %arg8[%add3A_135, %dma_start3A_136] : memref<88x128xi32, #tpu.memory_space<vmem>> -> memref<1x128xi32, #tpu.memory_space<vmem>>
          %dma_start3A_138 = tpu.memref_squeeze %dma_start3A_137 : memref<1x128xi32, #tpu.memory_space<vmem>> -> memref<128xi32, #tpu.memory_space<vmem>>
          %dma_start3A_139 = arith.constant 0 : i32
          %dma_start3A_140 = arith.constant 0 : i32
          %dma_start3A_141 = tpu.memref_slice %arg9[%dma_start3A_139, %dma_start3A_140] : memref<10240x128xf32, #tpu.memory_space<vmem_shared>> -> memref<10240x128xf32, #tpu.memory_space<vmem_shared>>
          tpu.enqueue_indirect_dma source(%arg7 : memref<128x128xf32, #tpu.memory_space<vmem>>) target(%dma_start3A_141 : memref<10240x128xf32, #tpu.memory_space<vmem_shared>>) offsets(%dma_start3A_138 : memref<128xi32, #tpu.memory_space<vmem>>) semaphore(%run_scoped3A : memref<!tpu.dma_semaphore, #tpu.memory_space<semaphore_mem>>) {add = true}
          %dma_wait3A_142 = arith.constant 0 : i32
          %dma_wait3A_143 = tpu.memref_slice %arg8[%add3A_135, %dma_wait3A_142] : memref<88x128xi32, #tpu.memory_space<vmem>> -> memref<1x128xi32, #tpu.memory_space<vmem>>
          %dma_wait3A_144 = tpu.memref_squeeze %dma_wait3A_143 : memref<1x128xi32, #tpu.memory_space<vmem>> -> memref<128xi32, #tpu.memory_space<vmem>>
          %dma_wait3A_145 = arith.constant 0 : i32
          %dma_wait3A_146 = arith.constant 0 : i32
          %dma_wait3A_147 = tpu.memref_slice %arg9[%dma_wait3A_145, %dma_wait3A_146] : memref<10240x128xf32, #tpu.memory_space<vmem_shared>> -> memref<10240x128xf32, #tpu.memory_space<vmem_shared>>
          tpu.wait_indirect_dma semaphore(%run_scoped3A : memref<!tpu.dma_semaphore, #tpu.memory_space<semaphore_mem>>) src(%arg7 : memref<128x128xf32, #tpu.memory_space<vmem>>) dst(%dma_wait3A_147 : memref<10240x128xf32, #tpu.memory_space<vmem_shared>>)
          tpu.yield
        }) : () -> ()
      } else {
      }
    }
    %barrier3A_98 = arith.constant 0 : index
    tpu.barrier barrier_id(%barrier3A_98)
    %mul3A_99 = arith.constant 640 : i32
    %mul3A_100 = arith.muli %arg1, %mul3A_99 : i32
    %mul3A_101 = arith.constant 640 : i32
    %mul3A_102 = arith.muli %arg1, %mul3A_101 : i32
    "tpu.region"() ({
      %run_scoped3A = tpu.sem_alloc : memref<!tpu.dma_semaphore, #tpu.memory_space<semaphore_mem>>
      %dma_start3A_103 = arith.constant 0 : i32
      %dma_start3A_104 = arith.constant 0 : i32
      %dma_start3A_105 = tpu.memref_slice %arg5[%arg0, %dma_start3A_103, %dma_start3A_104] : memref<2x10240x128xf32, #tpu.memory_space<hbm>> -> memref<1x10240x128xf32, #tpu.memory_space<hbm>>
      %dma_start3A_106 = tpu.memref_squeeze %dma_start3A_105 : memref<1x10240x128xf32, #tpu.memory_space<hbm>> -> memref<10240x128xf32, #tpu.memory_space<hbm>>
      %dma_start3A_107 = arith.constant 0 : i32
      %dma_start3A_108 = tpu.memref_slice %dma_start3A_106[%mul3A_102, %dma_start3A_107] : memref<10240x128xf32, #tpu.memory_space<hbm>> -> memref<640x128xf32, #tpu.memory_space<hbm>>
      %dma_start3A_109 = arith.constant 0 : i32
      %dma_start3A_110 = tpu.memref_slice %arg9[%mul3A_100, %dma_start3A_109] : memref<10240x128xf32, #tpu.memory_space<vmem_shared>> -> memref<640x128xf32, #tpu.memory_space<vmem_shared>>
      tpu.enqueue_dma source(%dma_start3A_110 : memref<640x128xf32, #tpu.memory_space<vmem_shared>>) target(%dma_start3A_108 : memref<640x128xf32, #tpu.memory_space<hbm>>) target_semaphore(%run_scoped3A : memref<!tpu.dma_semaphore, #tpu.memory_space<semaphore_mem>>)
      %dma_wait3A = arith.constant 0 : i32
      %dma_wait3A_111 = arith.constant 0 : i32
      %dma_wait3A_112 = tpu.memref_slice %arg5[%arg0, %dma_wait3A, %dma_wait3A_111] : memref<2x10240x128xf32, #tpu.memory_space<hbm>> -> memref<1x10240x128xf32, #tpu.memory_space<hbm>>
      %dma_wait3A_113 = tpu.memref_squeeze %dma_wait3A_112 : memref<1x10240x128xf32, #tpu.memory_space<hbm>> -> memref<10240x128xf32, #tpu.memory_space<hbm>>
      %dma_wait3A_114 = arith.constant 0 : i32
      %dma_wait3A_115 = tpu.memref_slice %dma_wait3A_113[%mul3A_102, %dma_wait3A_114] : memref<10240x128xf32, #tpu.memory_space<hbm>> -> memref<640x128xf32, #tpu.memory_space<hbm>>
      %dma_wait3A_116 = arith.constant 0 : i32
      %dma_wait3A_117 = tpu.memref_slice %arg9[%mul3A_100, %dma_wait3A_116] : memref<10240x128xf32, #tpu.memory_space<vmem_shared>> -> memref<640x128xf32, #tpu.memory_space<vmem_shared>>
      tpu.wait_dma2 semaphore(%run_scoped3A : memref<!tpu.dma_semaphore, #tpu.memory_space<semaphore_mem>>) src(%dma_wait3A_117 : memref<640x128xf32, #tpu.memory_space<vmem_shared>>) dst(%dma_wait3A_115 : memref<640x128xf32, #tpu.memory_space<hbm>>)
      tpu.yield
    }) : () -> ()
    return
  }
}

module attributes {stable_mosaic.version = 14 : i64} {
  func.func @_stage1_body(%arg0: i32, %arg1: memref<12800x128xf32, #tpu.memory_space<vmem>>, %arg2: memref<16x12800xf32, #tpu.memory_space<vmem>>, %arg3: memref<16x128xf32, #tpu.memory_space<vmem>>, %arg4: memref<12800x128xf32, #tpu.memory_space<vmem>>) attributes {dimension_semantics = [#tpu.dimension_semantics<arbitrary>], iteration_bounds = array<i64: 17>, scalar_prefetch = 0 : i64, scratch_operands = 0 : i64, tpu.core_type = #tpu.core_type<tc>, window_params = [{transform_indices = @transform_0, window_bounds = array<i64: 12800, 128>}, {transform_indices = @transform_1, window_bounds = array<i64: 16, 12800>}, {pipeline_mode = #tpu.pipeline_mode<synchronous>, transform_indices = @transform_2, window_bounds = array<i64: 16, 128>}, {transform_indices = @transform_3, window_bounds = array<i64: 12800, 128>}]} {
    %get3A = arith.constant 0 : index
    %get3A_0 = arith.constant 0 : index
    %get3A_1 = vector.load %arg2[%get3A, %get3A_0] : memref<16x12800xf32, #tpu.memory_space<vmem>>, vector<16x12800xf32>
    %get3A_2 = arith.constant 0 : index
    %get3A_3 = arith.constant 0 : index
    %get3A_4 = vector.load %arg3[%get3A_2, %get3A_3] : memref<16x128xf32, #tpu.memory_space<vmem>>, vector<16x128xf32>
    %dot_general3A = arith.constant dense<0.000000e+00> : vector<12800x128xf32>
    %dot_general3A_5 = tpu.matmul %get3A_1, %get3A_4, %dot_general3A {dimension_numbers = #tpu.dot_dimension_numbers<[0], [0], [1], [1], [0, 1, 1, 1], [], []>, transpose_lhs_hint = false} : vector<16x12800xf32>, vector<16x128xf32>, vector<12800x128xf32> -> vector<12800x128xf32>
    %get3A_6 = arith.constant 0 : index
    %get3A_7 = arith.constant 0 : index
    %get3A_8 = vector.load %arg1[%get3A_6, %get3A_7] : memref<12800x128xf32, #tpu.memory_space<vmem>>, vector<12800x128xf32>
    %mul3A = arith.mulf %get3A_8, %dot_general3A_5 : vector<12800x128xf32>
    %swap3A = arith.constant 0 : index
    %swap3A_9 = arith.constant 0 : index
    %swap3A_10 = vector.load %arg4[%swap3A, %swap3A_9] : memref<12800x128xf32, #tpu.memory_space<vmem>>, vector<12800x128xf32>
    tpu.vector_store %arg4[%swap3A, %swap3A_9], %mul3A {strides = array<i32>} : memref<12800x128xf32, #tpu.memory_space<vmem>>, vector<12800x128xf32>,
    return
  }
  func.func @transform_0(%arg0: i32) -> (i32, i32) {
    %add3A = arith.constant 8 : i32
    %add3A_0 = arith.addi %arg0, %add3A : i32
    %c0_i32 = arith.constant 0 : i32
    %c0_i32_1 = arith.constant 0 : i32
    return %add3A_0, %c0_i32 : i32, i32
  }
  func.func @transform_1(%arg0: i32) -> (i32, i32) {
    %add3A = arith.constant 8 : i32
    %add3A_0 = arith.addi %arg0, %add3A : i32
    %c0_i32 = arith.constant 0 : i32
    %c0_i32_1 = arith.constant 0 : i32
    return %c0_i32, %add3A_0 : i32, i32
  }
  func.func @transform_2(%arg0: i32) -> (i32, i32) {
    %c0_i32 = arith.constant 0 : i32
    %c0_i32_0 = arith.constant 0 : i32
    %c0_i32_1 = arith.constant 0 : i32
    return %c0_i32, %c0_i32_0 : i32, i32
  }
  func.func @transform_3(%arg0: i32) -> (i32, i32) {
    %c0_i32 = arith.constant 0 : i32
    %c0_i32_0 = arith.constant 0 : i32
    return %arg0, %c0_i32 : i32, i32
  }
}

module attributes {stable_mosaic.version = 14 : i64} {
  func.func @_stage1a_body(%arg0: i32, %arg1: memref<100xi32, #tpu.memory_space<smem>>, %arg2: memref<100xi32, #tpu.memory_space<smem>>, %arg3: memref<1024x128xf32, #tpu.memory_space<vmem>>, %arg4: memref<16x1024xf32, #tpu.memory_space<vmem>>, %arg5: memref<16x128xf32, #tpu.memory_space<vmem>>, %arg6: memref<1x1x1024xi32, #tpu.memory_space<vmem>>, %arg7: memref<80x128x128xf32, #tpu.memory_space<vmem>>, %arg8: memref<80x128x128xf32, #tpu.memory_space<vmem>>) attributes {dimension_semantics = [#tpu.dimension_semantics<arbitrary>], iteration_bounds = array<i64: 100>, scalar_prefetch = 2 : i64, scratch_operands = 1 : i64, tpu.core_type = #tpu.core_type<tc>, window_params = [{transform_indices = @transform_0, window_bounds = array<i64: 1024, 128>}, {transform_indices = @transform_1, window_bounds = array<i64: 16, 1024>}, {pipeline_mode = #tpu.pipeline_mode<synchronous>, transform_indices = @transform_2, window_bounds = array<i64: 16, 128>}, {transform_indices = @transform_3, window_bounds = array<i64: 1, 1, 1024>}, {pipeline_mode = #tpu.pipeline_mode<synchronous>, transform_indices = @transform_4, window_bounds = array<i64: 80, 128, 128>}]} {
    %eq3A = arith.constant 0 : i32
    %eq3A_0 = arith.cmpi eq, %arg0, %eq3A : i32
    %convert_element_type3A = arith.extui %eq3A_0 : i1 to i32
    %cond3A = arith.constant 0 : i32
    %cond3A_1 = arith.cmpi ne, %convert_element_type3A, %cond3A : i32
    scf.if %cond3A_1 {
      %broadcast_in_dim3A = arith.constant 0.000000e+00 : f32
      %broadcast_in_dim3A_35 = vector.broadcast %broadcast_in_dim3A : f32 to vector<80x128x128xf32>
      %swap3A = arith.constant 0 : index
      %swap3A_36 = arith.constant 0 : index
      %swap3A_37 = arith.constant 0 : index
      %swap3A_38 = vector.load %arg8[%swap3A, %swap3A_36, %swap3A_37] : memref<80x128x128xf32, #tpu.memory_space<vmem>>, vector<80x128x128xf32>
      tpu.vector_store %arg8[%swap3A, %swap3A_36, %swap3A_37], %broadcast_in_dim3A_35 {strides = array<i32>} : memref<80x128x128xf32, #tpu.memory_space<vmem>>, vector<80x128x128xf32>,
    } else {
    }
    %get3A = arith.constant 0 : index
    %get3A_2 = arith.constant 0 : index
    %get3A_3 = vector.load %arg4[%get3A, %get3A_2] : memref<16x1024xf32, #tpu.memory_space<vmem>>, vector<16x1024xf32>
    %get3A_4 = arith.constant 0 : index
    %get3A_5 = arith.constant 0 : index
    %get3A_6 = vector.load %arg5[%get3A_4, %get3A_5] : memref<16x128xf32, #tpu.memory_space<vmem>>, vector<16x128xf32>
    %dot_general3A = arith.constant dense<0.000000e+00> : vector<1024x128xf32>
    %dot_general3A_7 = tpu.matmul %get3A_3, %get3A_6, %dot_general3A {dimension_numbers = #tpu.dot_dimension_numbers<[0], [0], [1], [1], [0, 1, 1, 1], [], []>, transpose_lhs_hint = false} : vector<16x1024xf32>, vector<16x128xf32>, vector<1024x128xf32> -> vector<1024x128xf32>
    %get3A_8 = arith.constant 0 : index
    %get3A_9 = arith.constant 0 : index
    %get3A_10 = vector.load %arg3[%get3A_8, %get3A_9] : memref<1024x128xf32, #tpu.memory_space<vmem>>, vector<1024x128xf32>
    %mul3A = arith.mulf %get3A_10, %dot_general3A_7 : vector<1024x128xf32>
    %convert_element_type3A_11 = arith.truncf %mul3A : vector<1024x128xf32> to vector<1024x128xbf16>
    %get3A_12 = arith.constant 0 : index
    %get3A_13 = arith.constant 0 : index
    %get3A_14 = arith.constant 0 : index
    %get3A_15 = vector.load %arg6[%get3A_12, %get3A_13, %get3A_14] : memref<1x1x1024xi32, #tpu.memory_space<vmem>>, vector<1x1x1024xi32>
    %get3A_16 = vector.shape_cast %get3A_15 : vector<1x1x1024xi32> to vector<1024xi32>
    %iota3A = tpu.iota {dimensions = array<i32: 0>} : vector<128x1024xi32>
    %get3A_17 = arith.index_cast %arg0 : i32 to index
    %get3A_18 = memref.load %arg1[%get3A_17] : memref<100xi32, #tpu.memory_space<smem>>
    %get3A_19 = arith.index_cast %arg0 : i32 to index
    %get3A_20 = memref.load %arg2[%get3A_19] : memref<100xi32, #tpu.memory_space<smem>>
    %while3A = arith.constant 0 : i32
    %while3A_21 = arith.constant 0 : i32
    %while3A_22 = arith.subi %get3A_20, %while3A_21 : i32
    %while3A_23 = arith.addi %while3A_21, %while3A_22 : i32
    %while3A_24 = arith.constant 1 : i32
    %while3A_25 = arith.divsi %while3A_22, %while3A_24 : i32
    %while3A_26 = arith.muli %while3A_25, %while3A_24 : i32
    %while3A_27 = arith.addi %while3A_21, %while3A_26 : i32
    %while3A_28 = arith.constant 1 : i32
    scf.for %while3A_35 = %while3A_21 to %while3A_27 step %while3A_28  : i32 {
      %add3A = arith.addi %get3A_18, %while3A_35 : i32
      %mul3A_36 = arith.constant 128 : i32
      %mul3A_37 = arith.muli %add3A, %mul3A_36 : i32
      %add3A_38 = vector.broadcast %mul3A_37 : i32 to vector<128x1024xi32>
      %add3A_39 = arith.addi %iota3A, %add3A_38 : vector<128x1024xi32>
      %broadcast_in_dim3A = vector.shape_cast %get3A_16 : vector<1024xi32> to vector<1x1024xi32>
      %eq3A_40 = vector.broadcast %broadcast_in_dim3A : vector<1x1024xi32> to vector<128x1024xi32>
      %eq3A_41 = arith.cmpi eq, %add3A_39, %eq3A_40 : vector<128x1024xi32>
      %convert_element_type3A_42 = arith.extui %eq3A_41 : vector<128x1024xi1> to vector<128x1024xi32>
      %convert_element_type3A_43 = arith.sitofp %convert_element_type3A_42 : vector<128x1024xi32> to vector<128x1024xf32>
      %convert_element_type3A_44 = arith.truncf %convert_element_type3A_43 : vector<128x1024xf32> to vector<128x1024xbf16>
      %dot_general3A_45 = arith.constant dense<0.000000e+00> : vector<128x128xf32>
      %dot_general3A_46 = tpu.matmul %convert_element_type3A_44, %convert_element_type3A_11, %dot_general3A_45 {dimension_numbers = #tpu.dot_dimension_numbers<[1], [0], [0], [1], [0, 0, 1, 1], [], []>, transpose_lhs_hint = false} : vector<128x1024xbf16>, vector<1024x128xbf16>, vector<128x128xf32> -> vector<128x128xf32>
      %get3A_47 = arith.index_cast %add3A : i32 to index
      %get3A_48 = arith.constant 0 : index
      %get3A_49 = arith.constant 0 : index
      %get3A_50 = vector.load %arg8[%get3A_47, %get3A_48, %get3A_49] : memref<80x128x128xf32, #tpu.memory_space<vmem>>, vector<1x128x128xf32>
      %get3A_51 = vector.shape_cast %get3A_50 : vector<1x128x128xf32> to vector<128x128xf32>
      %add3A_52 = arith.addf %get3A_51, %dot_general3A_46 : vector<128x128xf32>
      %swap3A = arith.index_cast %add3A : i32 to index
      %swap3A_53 = arith.constant 0 : index
      %swap3A_54 = arith.constant 0 : index
      %swap3A_55 = vector.load %arg8[%swap3A, %swap3A_53, %swap3A_54] : memref<80x128x128xf32, #tpu.memory_space<vmem>>, vector<1x128x128xf32>
      %swap3A_56 = vector.shape_cast %swap3A_55 : vector<1x128x128xf32> to vector<128x128xf32>
      %swap3A_57 = vector.shape_cast %add3A_52 : vector<128x128xf32> to vector<1x128x128xf32>
      tpu.vector_store %arg8[%swap3A, %swap3A_53, %swap3A_54], %swap3A_57 {strides = array<i32>} : memref<80x128x128xf32, #tpu.memory_space<vmem>>, vector<1x128x128xf32>,
    }
    %while3A_29 = arith.constant 1 : i32
    scf.for %while3A_35 = %while3A_27 to %while3A_23 step %while3A_29  : i32 {
      %add3A = arith.addi %get3A_18, %while3A_35 : i32
      %mul3A_36 = arith.constant 128 : i32
      %mul3A_37 = arith.muli %add3A, %mul3A_36 : i32
      %add3A_38 = vector.broadcast %mul3A_37 : i32 to vector<128x1024xi32>
      %add3A_39 = arith.addi %iota3A, %add3A_38 : vector<128x1024xi32>
      %broadcast_in_dim3A = vector.shape_cast %get3A_16 : vector<1024xi32> to vector<1x1024xi32>
      %eq3A_40 = vector.broadcast %broadcast_in_dim3A : vector<1x1024xi32> to vector<128x1024xi32>
      %eq3A_41 = arith.cmpi eq, %add3A_39, %eq3A_40 : vector<128x1024xi32>
      %convert_element_type3A_42 = arith.extui %eq3A_41 : vector<128x1024xi1> to vector<128x1024xi32>
      %convert_element_type3A_43 = arith.sitofp %convert_element_type3A_42 : vector<128x1024xi32> to vector<128x1024xf32>
      %convert_element_type3A_44 = arith.truncf %convert_element_type3A_43 : vector<128x1024xf32> to vector<128x1024xbf16>
      %dot_general3A_45 = arith.constant dense<0.000000e+00> : vector<128x128xf32>
      %dot_general3A_46 = tpu.matmul %convert_element_type3A_44, %convert_element_type3A_11, %dot_general3A_45 {dimension_numbers = #tpu.dot_dimension_numbers<[1], [0], [0], [1], [0, 0, 1, 1], [], []>, transpose_lhs_hint = false} : vector<128x1024xbf16>, vector<1024x128xbf16>, vector<128x128xf32> -> vector<128x128xf32>
      %get3A_47 = arith.index_cast %add3A : i32 to index
      %get3A_48 = arith.constant 0 : index
      %get3A_49 = arith.constant 0 : index
      %get3A_50 = vector.load %arg8[%get3A_47, %get3A_48, %get3A_49] : memref<80x128x128xf32, #tpu.memory_space<vmem>>, vector<1x128x128xf32>
      %get3A_51 = vector.shape_cast %get3A_50 : vector<1x128x128xf32> to vector<128x128xf32>
      %add3A_52 = arith.addf %get3A_51, %dot_general3A_46 : vector<128x128xf32>
      %swap3A = arith.index_cast %add3A : i32 to index
      %swap3A_53 = arith.constant 0 : index
      %swap3A_54 = arith.constant 0 : index
      %swap3A_55 = vector.load %arg8[%swap3A, %swap3A_53, %swap3A_54] : memref<80x128x128xf32, #tpu.memory_space<vmem>>, vector<1x128x128xf32>
      %swap3A_56 = vector.shape_cast %swap3A_55 : vector<1x128x128xf32> to vector<128x128xf32>
      %swap3A_57 = vector.shape_cast %add3A_52 : vector<128x128xf32> to vector<1x128x128xf32>
      tpu.vector_store %arg8[%swap3A, %swap3A_53, %swap3A_54], %swap3A_57 {strides = array<i32>} : memref<80x128x128xf32, #tpu.memory_space<vmem>>, vector<1x128x128xf32>,
    }
    %eq3A_30 = arith.constant 99 : i32
    %eq3A_31 = arith.cmpi eq, %arg0, %eq3A_30 : i32
    %convert_element_type3A_32 = arith.extui %eq3A_31 : i1 to i32
    %cond3A_33 = arith.constant 0 : i32
    %cond3A_34 = arith.cmpi ne, %convert_element_type3A_32, %cond3A_33 : i32
    scf.if %cond3A_34 {
      %get3A_35 = arith.constant 0 : index
      %get3A_36 = arith.constant 0 : index
      %get3A_37 = arith.constant 0 : index
      %get3A_38 = vector.load %arg8[%get3A_35, %get3A_36, %get3A_37] : memref<80x128x128xf32, #tpu.memory_space<vmem>>, vector<80x128x128xf32>
      %swap3A = arith.constant 0 : index
      %swap3A_39 = arith.constant 0 : index
      %swap3A_40 = arith.constant 0 : index
      %swap3A_41 = vector.load %arg7[%swap3A, %swap3A_39, %swap3A_40] : memref<80x128x128xf32, #tpu.memory_space<vmem>>, vector<80x128x128xf32>
      tpu.vector_store %arg7[%swap3A, %swap3A_39, %swap3A_40], %get3A_38 {strides = array<i32>} : memref<80x128x128xf32, #tpu.memory_space<vmem>>, vector<80x128x128xf32>,
    } else {
    }
    return
  }
  func.func @transform_0(%arg0: i32, %arg1: memref<100xi32, #tpu.memory_space<smem>>, %arg2: memref<100xi32, #tpu.memory_space<smem>>) -> (i32, i32) {
    %c0_i32 = arith.constant 0 : i32
    %c0_i32_0 = arith.constant 0 : i32
    return %arg0, %c0_i32 : i32, i32
  }
  func.func @transform_1(%arg0: i32, %arg1: memref<100xi32, #tpu.memory_space<smem>>, %arg2: memref<100xi32, #tpu.memory_space<smem>>) -> (i32, i32) {
    %c0_i32 = arith.constant 0 : i32
    %c0_i32_0 = arith.constant 0 : i32
    return %c0_i32, %arg0 : i32, i32
  }
  func.func @transform_2(%arg0: i32, %arg1: memref<100xi32, #tpu.memory_space<smem>>, %arg2: memref<100xi32, #tpu.memory_space<smem>>) -> (i32, i32) {
    %c0_i32 = arith.constant 0 : i32
    %c0_i32_0 = arith.constant 0 : i32
    %c0_i32_1 = arith.constant 0 : i32
    return %c0_i32, %c0_i32_0 : i32, i32
  }
  func.func @transform_3(%arg0: i32, %arg1: memref<100xi32, #tpu.memory_space<smem>>, %arg2: memref<100xi32, #tpu.memory_space<smem>>) -> (i32, i32, i32) {
    %c0_i32 = arith.constant 0 : i32
    %c0_i32_0 = arith.constant 0 : i32
    %c0_i32_1 = arith.constant 0 : i32
    return %arg0, %c0_i32, %c0_i32_0 : i32, i32, i32
  }
  func.func @transform_4(%arg0: i32, %arg1: memref<100xi32, #tpu.memory_space<smem>>, %arg2: memref<100xi32, #tpu.memory_space<smem>>) -> (i32, i32, i32) {
    %c0_i32 = arith.constant 0 : i32
    %c0_i32_0 = arith.constant 0 : i32
    %c0_i32_1 = arith.constant 0 : i32
    %c0_i32_2 = arith.constant 0 : i32
    return %c0_i32, %c0_i32_0, %c0_i32_1 : i32, i32, i32
  }
}

module attributes {stable_mosaic.version = 14 : i64} {
  func.func @_stage3_body(%arg0: i32, %arg1: memref<2x2000x128xf32, #tpu.memory_space<vmem>>, %arg2: memref<2000x128xf32, #tpu.memory_space<vmem>>, %arg3: memref<128x128xf32, #tpu.memory_space<vmem>>, %arg4: memref<128x128xf32, #tpu.memory_space<vmem>>, %arg5: memref<128x128xf32, #tpu.memory_space<vmem>>, %arg6: memref<128x128xf32, #tpu.memory_space<vmem>>, %arg7: memref<2000x128xf32, #tpu.memory_space<vmem>>) attributes {dimension_semantics = [#tpu.dimension_semantics<arbitrary>], iteration_bounds = array<i64: 5>, scalar_prefetch = 0 : i64, scratch_operands = 0 : i64, tpu.core_type = #tpu.core_type<tc>, window_params = [{transform_indices = @transform_0, window_bounds = array<i64: 2, 2000, 128>}, {transform_indices = @transform_1, window_bounds = array<i64: 2000, 128>}, {pipeline_mode = #tpu.pipeline_mode<synchronous>, transform_indices = @transform_2, window_bounds = array<i64: 128, 128>}, {pipeline_mode = #tpu.pipeline_mode<synchronous>, transform_indices = @transform_3, window_bounds = array<i64: 128, 128>}, {pipeline_mode = #tpu.pipeline_mode<synchronous>, transform_indices = @transform_4, window_bounds = array<i64: 128, 128>}, {pipeline_mode = #tpu.pipeline_mode<synchronous>, transform_indices = @transform_5, window_bounds = array<i64: 128, 128>}, {transform_indices = @transform_6, window_bounds = array<i64: 2000, 128>}]} {
    %get3A = arith.constant 0 : index
    %get3A_0 = arith.constant 0 : index
    %get3A_1 = arith.constant 0 : index
    %get3A_2 = vector.load %arg1[%get3A, %get3A_0, %get3A_1] : memref<2x2000x128xf32, #tpu.memory_space<vmem>>, vector<1x2000x128xf32>
    %get3A_3 = vector.shape_cast %get3A_2 : vector<1x2000x128xf32> to vector<2000x128xf32>
    %get3A_4 = arith.constant 1 : index
    %get3A_5 = arith.constant 0 : index
    %get3A_6 = arith.constant 0 : index
    %get3A_7 = vector.load %arg1[%get3A_4, %get3A_5, %get3A_6] : memref<2x2000x128xf32, #tpu.memory_space<vmem>>, vector<1x2000x128xf32>
    %get3A_8 = vector.shape_cast %get3A_7 : vector<1x2000x128xf32> to vector<2000x128xf32>
    %add3A = arith.addf %get3A_3, %get3A_8 : vector<2000x128xf32>
    %get3A_9 = arith.constant 0 : index
    %get3A_10 = arith.constant 0 : index
    %get3A_11 = vector.load %arg2[%get3A_9, %get3A_10] : memref<2000x128xf32, #tpu.memory_space<vmem>>, vector<2000x128xf32>
    %add3A_12 = arith.addf %add3A, %get3A_11 : vector<2000x128xf32>
    %get3A_13 = arith.constant 0 : index
    %get3A_14 = arith.constant 0 : index
    %get3A_15 = vector.load %arg3[%get3A_13, %get3A_14] : memref<128x128xf32, #tpu.memory_space<vmem>>, vector<128x128xf32>
    %dot_general3A = arith.constant dense<0.000000e+00> : vector<2000x128xf32>
    %dot_general3A_16 = tpu.matmul %add3A_12, %get3A_15, %dot_general3A {dimension_numbers = #tpu.dot_dimension_numbers<[1], [0], [0], [1], [0, 0, 1, 1], [], []>, transpose_lhs_hint = false} : vector<2000x128xf32>, vector<128x128xf32>, vector<2000x128xf32> -> vector<2000x128xf32>
    %neg3A = arith.constant 0.000000e+00 : f32
    %neg3A_17 = vector.broadcast %neg3A : f32 to vector<2000x128xf32>
    %neg3A_18 = arith.subf %neg3A_17, %dot_general3A_16 : vector<2000x128xf32>
    %exp3A = math.exp %neg3A_18 : vector<2000x128xf32>
    %add3A_19 = arith.constant 1.000000e+00 : f32
    %add3A_20 = vector.broadcast %add3A_19 : f32 to vector<2000x128xf32>
    %add3A_21 = arith.addf %add3A_20, %exp3A : vector<2000x128xf32>
    %div3A = arith.constant 1.000000e+00 : f32
    %div3A_22 = vector.broadcast %div3A : f32 to vector<2000x128xf32>
    %div3A_23 = arith.divf %div3A_22, %add3A_21 : vector<2000x128xf32>
    %mul3A = arith.mulf %dot_general3A_16, %div3A_23 : vector<2000x128xf32>
    %mul3A_24 = arith.constant 1.66666663 : f32
    %mul3A_25 = vector.broadcast %mul3A_24 : f32 to vector<2000x128xf32>
    %mul3A_26 = arith.mulf %mul3A, %mul3A_25 : vector<2000x128xf32>
    %get3A_27 = arith.constant 0 : index
    %get3A_28 = arith.constant 0 : index
    %get3A_29 = vector.load %arg4[%get3A_27, %get3A_28] : memref<128x128xf32, #tpu.memory_space<vmem>>, vector<128x128xf32>
    %dot_general3A_30 = arith.constant dense<0.000000e+00> : vector<2000x128xf32>
    %dot_general3A_31 = tpu.matmul %mul3A_26, %get3A_29, %dot_general3A_30 {dimension_numbers = #tpu.dot_dimension_numbers<[1], [0], [0], [1], [0, 0, 1, 1], [], []>, transpose_lhs_hint = false} : vector<2000x128xf32>, vector<128x128xf32>, vector<2000x128xf32> -> vector<2000x128xf32>
    %neg3A_32 = arith.constant 0.000000e+00 : f32
    %neg3A_33 = vector.broadcast %neg3A_32 : f32 to vector<2000x128xf32>
    %neg3A_34 = arith.subf %neg3A_33, %dot_general3A_31 : vector<2000x128xf32>
    %exp3A_35 = math.exp %neg3A_34 : vector<2000x128xf32>
    %add3A_36 = arith.constant 1.000000e+00 : f32
    %add3A_37 = vector.broadcast %add3A_36 : f32 to vector<2000x128xf32>
    %add3A_38 = arith.addf %add3A_37, %exp3A_35 : vector<2000x128xf32>
    %div3A_39 = arith.constant 1.000000e+00 : f32
    %div3A_40 = vector.broadcast %div3A_39 : f32 to vector<2000x128xf32>
    %div3A_41 = arith.divf %div3A_40, %add3A_38 : vector<2000x128xf32>
    %mul3A_42 = arith.mulf %dot_general3A_31, %div3A_41 : vector<2000x128xf32>
    %mul3A_43 = arith.constant 1.66666663 : f32
    %mul3A_44 = vector.broadcast %mul3A_43 : f32 to vector<2000x128xf32>
    %mul3A_45 = arith.mulf %mul3A_42, %mul3A_44 : vector<2000x128xf32>
    %add3A_46 = arith.addf %add3A_12, %mul3A_45 : vector<2000x128xf32>
    %mul3A_47 = arith.constant 0.707106769 : f32
    %mul3A_48 = vector.broadcast %mul3A_47 : f32 to vector<2000x128xf32>
    %mul3A_49 = arith.mulf %add3A_46, %mul3A_48 : vector<2000x128xf32>
    %get3A_50 = arith.constant 0 : index
    %get3A_51 = arith.constant 0 : index
    %get3A_52 = vector.load %arg5[%get3A_50, %get3A_51] : memref<128x128xf32, #tpu.memory_space<vmem>>, vector<128x128xf32>
    %dot_general3A_53 = arith.constant dense<0.000000e+00> : vector<2000x128xf32>
    %dot_general3A_54 = tpu.matmul %mul3A_49, %get3A_52, %dot_general3A_53 {dimension_numbers = #tpu.dot_dimension_numbers<[1], [0], [0], [1], [0, 0, 1, 1], [], []>, transpose_lhs_hint = false} : vector<2000x128xf32>, vector<128x128xf32>, vector<2000x128xf32> -> vector<2000x128xf32>
    %neg3A_55 = arith.constant 0.000000e+00 : f32
    %neg3A_56 = vector.broadcast %neg3A_55 : f32 to vector<2000x128xf32>
    %neg3A_57 = arith.subf %neg3A_56, %dot_general3A_54 : vector<2000x128xf32>
    %exp3A_58 = math.exp %neg3A_57 : vector<2000x128xf32>
    %add3A_59 = arith.constant 1.000000e+00 : f32
    %add3A_60 = vector.broadcast %add3A_59 : f32 to vector<2000x128xf32>
    %add3A_61 = arith.addf %add3A_60, %exp3A_58 : vector<2000x128xf32>
    %div3A_62 = arith.constant 1.000000e+00 : f32
    %div3A_63 = vector.broadcast %div3A_62 : f32 to vector<2000x128xf32>
    %div3A_64 = arith.divf %div3A_63, %add3A_61 : vector<2000x128xf32>
    %mul3A_65 = arith.mulf %dot_general3A_54, %div3A_64 : vector<2000x128xf32>
    %mul3A_66 = arith.constant 1.66666663 : f32
    %mul3A_67 = vector.broadcast %mul3A_66 : f32 to vector<2000x128xf32>
    %mul3A_68 = arith.mulf %mul3A_65, %mul3A_67 : vector<2000x128xf32>
    %get3A_69 = arith.constant 0 : index
    %get3A_70 = arith.constant 0 : index
    %get3A_71 = vector.load %arg6[%get3A_69, %get3A_70] : memref<128x128xf32, #tpu.memory_space<vmem>>, vector<128x128xf32>
    %dot_general3A_72 = arith.constant dense<0.000000e+00> : vector<2000x128xf32>
    %dot_general3A_73 = tpu.matmul %mul3A_68, %get3A_71, %dot_general3A_72 {dimension_numbers = #tpu.dot_dimension_numbers<[1], [0], [0], [1], [0, 0, 1, 1], [], []>, transpose_lhs_hint = false} : vector<2000x128xf32>, vector<128x128xf32>, vector<2000x128xf32> -> vector<2000x128xf32>
    %neg3A_74 = arith.constant 0.000000e+00 : f32
    %neg3A_75 = vector.broadcast %neg3A_74 : f32 to vector<2000x128xf32>
    %neg3A_76 = arith.subf %neg3A_75, %dot_general3A_73 : vector<2000x128xf32>
    %exp3A_77 = math.exp %neg3A_76 : vector<2000x128xf32>
    %add3A_78 = arith.constant 1.000000e+00 : f32
    %add3A_79 = vector.broadcast %add3A_78 : f32 to vector<2000x128xf32>
    %add3A_80 = arith.addf %add3A_79, %exp3A_77 : vector<2000x128xf32>
    %div3A_81 = arith.constant 1.000000e+00 : f32
    %div3A_82 = vector.broadcast %div3A_81 : f32 to vector<2000x128xf32>
    %div3A_83 = arith.divf %div3A_82, %add3A_80 : vector<2000x128xf32>
    %mul3A_84 = arith.mulf %dot_general3A_73, %div3A_83 : vector<2000x128xf32>
    %mul3A_85 = arith.constant 1.66666663 : f32
    %mul3A_86 = vector.broadcast %mul3A_85 : f32 to vector<2000x128xf32>
    %mul3A_87 = arith.mulf %mul3A_84, %mul3A_86 : vector<2000x128xf32>
    %add3A_88 = arith.addf %mul3A_49, %mul3A_87 : vector<2000x128xf32>
    %mul3A_89 = arith.constant 0.707106769 : f32
    %mul3A_90 = vector.broadcast %mul3A_89 : f32 to vector<2000x128xf32>
    %mul3A_91 = arith.mulf %add3A_88, %mul3A_90 : vector<2000x128xf32>
    %swap3A = arith.constant 0 : index
    %swap3A_92 = arith.constant 0 : index
    %swap3A_93 = vector.load %arg7[%swap3A, %swap3A_92] : memref<2000x128xf32, #tpu.memory_space<vmem>>, vector<2000x128xf32>
    tpu.vector_store %arg7[%swap3A, %swap3A_92], %mul3A_91 {strides = array<i32>} : memref<2000x128xf32, #tpu.memory_space<vmem>>, vector<2000x128xf32>,
    return
  }
  func.func @transform_0(%arg0: i32) -> (i32, i32, i32) {
    %c0_i32 = arith.constant 0 : i32
    %c0_i32_0 = arith.constant 0 : i32
    %c0_i32_1 = arith.constant 0 : i32
    return %c0_i32, %arg0, %c0_i32_0 : i32, i32, i32
  }
  func.func @transform_1(%arg0: i32) -> (i32, i32) {
    %c0_i32 = arith.constant 0 : i32
    %c0_i32_0 = arith.constant 0 : i32
    return %arg0, %c0_i32 : i32, i32
  }
  func.func @transform_2(%arg0: i32) -> (i32, i32) {
    %c0_i32 = arith.constant 0 : i32
    %c0_i32_0 = arith.constant 0 : i32
    %c0_i32_1 = arith.constant 0 : i32
    return %c0_i32, %c0_i32_0 : i32, i32
  }
  func.func @transform_3(%arg0: i32) -> (i32, i32) {
    %c0_i32 = arith.constant 0 : i32
    %c0_i32_0 = arith.constant 0 : i32
    %c0_i32_1 = arith.constant 0 : i32
    return %c0_i32, %c0_i32_0 : i32, i32
  }
  func.func @transform_4(%arg0: i32) -> (i32, i32) {
    %c0_i32 = arith.constant 0 : i32
    %c0_i32_0 = arith.constant 0 : i32
    %c0_i32_1 = arith.constant 0 : i32
    return %c0_i32, %c0_i32_0 : i32, i32
  }
  func.func @transform_5(%arg0: i32) -> (i32, i32) {
    %c0_i32 = arith.constant 0 : i32
    %c0_i32_0 = arith.constant 0 : i32
    %c0_i32_1 = arith.constant 0 : i32
    return %c0_i32, %c0_i32_0 : i32, i32
  }
  func.func @transform_6(%arg0: i32) -> (i32, i32) {
    %c0_i32 = arith.constant 0 : i32
    %c0_i32_0 = arith.constant 0 : i32
    return %arg0, %c0_i32 : i32, i32
  }
}

</mosaic_0001>

<sc_bundles>
// kernel: kernel.6.cloned.1.call-start
scs
__scs_entry_jumppad:
0x0: {  	(pc) =	sbr.rel $0x88, $3  }
0x1: {  	(tag) =	ssettag $0x0;
	lr =	simm.s32 $0x1  }
0x2: {  	[smem:$0x3F98] =	sst lr;
	_ =	strace $0xD0000000  }
0x3: {  	_ = 	snop  }
0x4: {  	_ = 	snop  }
0x5: {  	_ = 	snop  }
0x6: {  	_ = 	snop  }
0x7: {  	_ = 	snop  }
__scs_overlays_trampoline_lowered:
0x8: {  	[smem:$0x3FA7] =	sst s0  }
0x9: {  	[smem:$0x3FA8] =	sst s1  }
0xa: {  	[smem:$0x3FA9] =	sst s2  }
0xb: {  	[smem:$0x3FAA] =	sst s3  }
0xc: {  	[smem:$0x3FAB] =	sst s4  }
0xd: {  	[smem:$0x3FAC] =	sst s5  }
0xe: {  	[smem:$0x3FAD] =	sst s6  }
0xf: {  	[smem:$0x3FAE] =	sst s7  }
0x10: {  	[smem:$0x3FAF] =	sst s8  }
0x11: {  	[smem:$0x3FB0] =	sst s9;
	s0 =	simm.s32 @!p0 $0x0  }
0x12: {  	s1 =	sld [smem:$0x3F96];
	s0 =	simm.s32 @p0 $0x1  }
0x13: {  	[smem:$0x3FB1] =	sst s0;
	s0 =	simm.s32 @!p1 $0x0  }
0x14: {  	s2 =	sld [smem:$0x3F95];
	s0 =	simm.s32 @p1 $0x1  }
0x15: {  	[smem:$0x3FB2] =	sst s0;
	s0 =	simm.s32 @!p2 $0x0  }
0x16: {  	s3 =	sld [smem:$0x3FDB];
	s0 =	simm.s32 @p2 $0x1  }
0x17: {  	s4 =	simm.s32 $0x1BF5;
	[smem:$0x3FB4] =	sst s0  }
0x18: {  	s0 =	sld [smem:$0x3F97];
	_ =	swait.ge [sflag:s4], $0x0  }
0x19: {  	s7 =	sld [smem:$0x3F98]  }
0x1a: {  	s8 =	sadd.s32 $0xFFFFE003, lr  }
0x1b: {  	s9 =	sadd.s32 $0xFFFFFEF7, lr;
	s5 =	simm.s32 $0xFFFFFFFF;
	p2 =	slt.u32 s8, $0xFFFFF086  }
0x1c: {  	p1 =	slt.u32 s9, $0xF7A;
	s5 =	simm.s32 @!p2 $0x0  }
0x1d: {  	s5 =	simm.s32 @p1 $0x1;
	p0 =	seq.s32 s7, s2  }
0x1e: {  	s7 =	smul.u32 @!p0 $0xF7A, s2;
	p2 =	seq.s32 @!p0 s5, $0x0  }
0x1f: {  	s9 =	smul.u32 $0xF7A, s1;
	s8 =	simm.s32 @!p0 $0x1BF5;
	p2 =	por !p2, p0  }
0x20: {  	[sflag:s8] =	ssyncset.s32 @!p0 $0xFFFFF086;
	s6 =	sadd.s32 @!p0 s3, s7;
	s7 =	simm.s32 @!p0 $0x108  }
0x21: {  	s3 =	sadd.s32 s3, s9;
	s6 =	sadd.s32 @!p0 $0x88, s6;
	s7 =	simm.s32 @p2 $0x1082  }
0x22: {  	[simem:s7], [sflag:s8] =	dma.local @!p0 [hbm:s6], $0xF7A  }
0x23: {  	s9 =	sor.u32 $0xD0000000, s2;
	s6 =	simm.s32 $0x108;
	_ =	swait.ge @!p0 [sflag:s8], $0x0  }
0x24: {  	s3 =	sadd.s32 $0x88, s3;
	s6 =	simm.s32 @!p1 $0x1082;
	[sflag:s4] =	ssyncset.s32 $0xFFFFF086  }
0x25: {  	[simem:s6], [sflag:s4] =	dma.local [hbm:s3], $0xF7A  }
0x26: {  	[smem:$0x3F98] =	sst s1;
	(tag) =	ssettag s2;
	_ =	strace s9  }
0x27: {  	s1 =	sld [smem:$0x3FA8]  }
0x28: {  	s2 =	sld [smem:$0x3FA9]  }
0x29: {  	s4 =	sld [smem:$0x3FAB]  }
0x2a: {  	p0 =	seq.s32 s5, $0x0;
	s5 =	sld [smem:$0x3FAC]  }
0x2b: {  	s6 =	sld [smem:$0x3FAD]  }
0x2c: {  	s7 =	sld [smem:$0x3FAE]  }
0x2d: {  	s3 =	simm.s32 $0x108;
	s8 =	sld [smem:$0x3FAF]  }
0x2e: {  	s3 =	simm.s32 @!p0 $0x1082;
	s9 =	sld [smem:$0x3FB0]  }
0x2f: {  	lr =	sadd.s32 s0, s3;
	s0 =	sld [smem:$0x3FA7]  }
0x30: {  	s3 =	sld [smem:$0x3FAA]  }
0x31: {  	[smem:$0x3FB3] =	sst s10  }
0x32: {  	s10 =	sld [smem:$0x3FB1];
	_ =	sdelay $0x3  }
0x33: {  	p0 =	seq.s32 s10, $0x1;
	s10 =	sld [smem:$0x3FB3];
	_ =	sdelay $0x3  }
0x34: {  	[smem:$0x3FB3] =	sst s10  }
0x35: {  	s10 =	sld [smem:$0x3FB2];
	_ =	sdelay $0x3  }
0x36: {  	p1 =	seq.s32 s10, $0x1;
	s10 =	sld [smem:$0x3FB3];
	_ =	sdelay $0x3  }
0x37: {  	[smem:$0x3FB3] =	sst s10  }
0x38: {  	s10 =	sld [smem:$0x3FB4]  }
0x39: {  	_ = 	snop;
	(pc) =	sbr.ind lr, $3  }
0x3a: {  	_ = 	snop  }
0x3b: {  	_ = 	snop  }
0x3c: {  	p2 =	seq.s32 s10, $0x1;
	s10 =	sld [smem:$0x3FB3]  }
0x3d: {  	_ =	shalt  }
0x3e: {  	_ =	shalt  }
0x3f: {  	_ =	shalt  }
0x40: {  	_ =	shalt  }
0x41: {  	_ =	shalt  }
0x42: {  	_ =	shalt  }
0x43: {  	_ =	shalt  }
0x44: {  	_ =	shalt  }
0x45: {  	_ =	shalt  }
0x46: {  	_ =	shalt  }
0x47: {  	_ =	shalt  }
0x48: {  	_ =	shalt  }
0x49: {  	_ =	shalt  }
0x4a: {  	_ =	shalt  }
0x4b: {  	_ =	shalt  }
0x4c: {  	_ =	shalt  }
0x4d: {  	_ =	shalt  }
0x4e: {  	_ =	shalt  }
0x4f: {  	_ =	shalt  }
0x50: {  	_ =	shalt  }
0x51: {  	_ =	shalt  }
0x52: {  	_ =	shalt  }
0x53: {  	_ =	shalt  }
0x54: {  	_ =	shalt  }
0x55: {  	_ =	shalt  }
0x56: {  	_ =	shalt  }
0x57: {  	_ =	shalt  }
0x58: {  	_ =	shalt  }
0x59: {  	_ =	shalt  }
0x5a: {  	_ =	shalt  }
0x5b: {  	_ =	shalt  }
0x5c: {  	_ =	shalt  }
0x5d: {  	_ =	shalt  }
0x5e: {  	_ =	shalt  }
0x5f: {  	_ =	shalt  }
0x60: {  	_ =	shalt  }
0x61: {  	_ =	shalt  }
0x62: {  	_ =	shalt  }
0x63: {  	_ =	shalt  }
0x64: {  	_ =	shalt  }
0x65: {  	_ =	shalt  }
0x66: {  	_ =	shalt  }
0x67: {  	_ =	shalt  }
0x68: {  	_ =	shalt  }
0x69: {  	_ =	shalt  }
0x6a: {  	_ =	shalt  }
0x6b: {  	_ =	shalt  }
0x6c: {  	_ =	shalt  }
0x6d: {  	_ =	shalt  }
0x6e: {  	_ =	shalt  }
0x6f: {  	_ =	shalt  }
0x70: {  	_ =	shalt  }
0x71: {  	_ =	shalt  }
0x72: {  	_ =	shalt  }
0x73: {  	_ =	shalt  }
0x74: {  	_ =	shalt  }
0x75: {  	_ =	shalt  }
0x76: {  	_ =	shalt  }
0x77: {  	_ =	shalt  }
0x78: {  	_ =	shalt  }
0x79: {  	_ =	shalt  }
0x7a: {  	_ =	shalt  }
0x7b: {  	_ =	shalt  }
0x7c: {  	_ =	shalt  }
0x7d: {  	_ =	shalt  }
0x7e: {  	_ =	shalt  }
0x7f: {  	_ =	shalt  }
0x80: {  	_ =	shalt  }
0x81: {  	_ =	shalt  }
0x82: {  	_ =	shalt  }
0x83: {  	_ =	shalt  }
0x84: {  	_ =	shalt  }
0x85: {  	_ =	shalt  }
0x86: {  	_ =	shalt  }
0x87: {  	_ =	shalt  }
.Lfunc_end0:
.L_simem_size_0:
called_computation_lowered:
.L_overlay_start_0:
0x88: {  	s2 =	sld [smem:$0x3FD9]  }
0x89: {  	s3 =	sld [smem:$0x3FFE];
	_ =	sdelay $0x1  }
0x8a: {  	s1 =	srdreg.scid  }
0x8b: {  	s0 =	sand.u32 $0x1, s1  }
0x8c: {  	s17 =	sshll.u32 s0, $0xA;
	s2 =	sadd.s32 s3, s2  }
0x8d: {  	s2 =	sadd.s32 s2, s17  }
0x8e: {  	[smem:$0x3FBF] =	sst s2  }
0x8f: {  	_ = 	snop  }
0x90: {  	s2 =	sld [smem:$0x3FD0];
	(tm) =	ssettm $0x1  }
0x91: {  	s18 =	sld [smem:$0x3FFB];
	_ =	sdelay $0x3  }
0x92: {  	_ =	strace s18  }
0x93: {  	s3 =	sld [smem:$0x3FFC];
	_ =	sdelay $0x3  }
0x94: {  	_ =	strace s3  }
0x95: {  	s3 =	sld [smem:$0x3FFD];
	_ =	sdelay $0x3  }
0x96: {  	_ =	strace s3  }
0x97: {  	_ =	strace $0x8FFFFFFF  }
0x98: {  	s19 =	sld [smem:$0x3FDB];
	_ =	sdelay $0x1  }
0x99: {  	s4 =	simm.s32 $_scs_section_size  }
0x9a: {  	s5 =	simm.s32 $_size__tile_overlayer_lowered;
	s6 =	simm.s32 $_tile_overlayer_lowered  }
0x9b: {  	s22 =	simm.s32 $0x1BFF;
	s21 =	sshll.u32 s6, $0x1;
	s3 =	sadd.s32 s4, s19  }
0x9c: {  	s7 =	simm.s32 $0x0;
	s20 =	sshll.u32 s5, $0x1;
	s5 =	sadd.s32 s21, s3  }
0x9d: {  	[timem:s7], [sflag:s22] =	dma.local [hbm:s5], s20  }
0x9e: {  	_ =	swait.ge [sflag:s22], s20  }
0x9f: {  	s4 =	ssub.s32 $0x0, s20;
	[sflag:s22] =	ssyncset.done $0x0  }
0xa0: {  	[sflag:s22] =	ssyncadd.s32 s4;
	_ =	sdelay $0x1  }
0xa1: {  	s23 =	simm.s32 $0x1B8B  }
0xa2: {  	_ =	swait.ge [sflag:s23], $0x1  }
0xa3: {  	[sflag:s23] =	ssyncset.done $0x0  }
0xa4: {  	s25 =	simm.s32 $0x1B8E;
	s24 =	sld [smem:$0x3FFE];
	[sflag:s23] =	ssyncadd.s32 $0xFFFFFFFF  }
0xa5: {  	s26 =	simm.s32 $execute0_lowered;
	[smem:$0x3FD2] =	sst s25  }
0xa6: {  	s5 =	sshll.u32 s26, $0x1;
	_ =	strace $0x80000046;
	[dreg:$0x1] =	wrdreg $0xFFFFFFFF  }
0xa7: {  	s28 =	simm.s32 $_size_execute0_lowered;
	s3 =	sadd.s32 s3, s5;
	[dreg:$0x0] =	wrdreg $0x0  }
0xa8: {  	s5 =	sshll.u32 s28, $0x1;
	[dreg:$0x2] =	wrdreg s3  }
0xa9: {  	[dreg:$0x3] =	wrdreg s5  }
0xaa: {  	[dreg:$0x4] =	wrdreg $0xC0  }
0xab: {  	_ =	task [dreg:s7], $0x5FFFF  }
0xac: {  	[dreg:$0x1] =	wrdreg $0xFFFFFFFF  }
0xad: {  	[dreg:$0x0] =	wrdreg $0x60  }
0xae: {  	[dreg:$0x2] =	wrdreg s24  }
0xaf: {  	[dreg:$0x3] =	wrdreg s2  }
0xb0: {  	[dreg:$0x4] =	wrdreg $0xAC000  }
0xb1: {  	[dreg:$0x5] =	wrdreg $0x9  }
0xb2: {  	_ =	task.clear_ibuf [dreg:s7], $0x6FFFF;
	_ =	strace $0x90000046  }
0xb3: {  	s29 =	simm.s32 $0x9;
	_ =	strace $0x80000048  }
0xb4: {  	_ =	swait.ge [sflag:s29], $0x1  }
0xb5: {  	[sflag:s29] =	ssyncadd.s32 $0xFFFFFFFF  }
0xb6: {  	_ =	strace $0x90000048  }
0xb7: {  	_ =	sfence  }
0xb8: {  	s30 =	sld [smem:$0x0];
	_ =	sdelay $0x2  }
0xb9: {  	s31 =	sshll.u32 s1, $0xD;
	s1 =	sshrl.u32 s1, $0x2  }
0xba: {  	s3 =	sand.u32 $0x4000, s31;
	s1 =	sadd.s32 s1, s30  }
0xbb: {  	s0 =	sor.u32 s3, s0;
	s1 =	sshll.u32 s1, $0x11  }
0xbc: {  	s0 =	sor.u32 s1, s0  }
0xbd: {  	s0 =	sadd.s32 $0x8F2B, s0  }
0xbe: {  	[sflag:s0] =	ssyncadd.remote.s32 $0x1  }
0xbf: {  	_ =	sfence.sel $0xFFFF  }
0xc0: {  	[dreg:$0x0] =	wrdreg $0xFFFFFFFF;
	(pc) =	sbr.abs _section_cstart, $3  }
0xc1: {  	[dreg:$0x1] =	wrdreg $0xFFFFFFFF  }
0xc2: {  	_ =	task.clear_ibuf [dreg:s7], $0x2FFFF;
	_ =	strace $0x9FFFFFFF  }
0xc3: {  	(tm) =	ssettm $0x7FFFFFFF  }
tec
execute0_lowered:
.L_overlay_start_1:
0x0: {  	(tag) =	ssettag $0x1  }
0x1: {  	s5 =	rddreg [dreg:$0x0]  }
0x2: {  	s7 =	rddreg [dreg:$0x1]  }
0x3: {  	s1 =	rddreg [dreg:$0x2];
	s3 =	srdreg.scid  }
0x4: {  	s0 =	rddreg [dreg:$0x3];
	s2 =	simm.s32 $0x0;
	s8 =	sand.u32 $0x1, s3  }
0x5: {  	s18 =	simm.s32 $0x4;
	s3 =	stileid.u32;
	s6 =	smul.u32 $0x28000, s8  }
0x6: {  	[smem:$0x7FF] =	sst s2;
	s13 =	sadd.s32 $0xA00, s5;
	s10 =	smul.u32 $0x50000, s3  }
0x7: {  	_ =	strace $0x80000047;
	s4 =	sshll.u32 s8, $0x4;
	s30 =	smul.u32 $0x6A40, s8  }
0x8: {  	s11 =	ssub.s32 $0x2, s8;
	s15 =	sshll.u32 s3, $0x6;
	s17 =	smul.u32 $0x6A4, s3  }
0x9: {  	s20 =	smul.u32 $0x2800, s3;
	s9 =	sor.u32 s3, s4;
	s4 =	sadd.s32 $0x352A00, s5  }
0xa: {  	s22 =	sshrl.u32 s11, $0x1;
	s9 =	smul.u32 $0x6A4, s9;
	s12 =	sadd.s32 s6, s5  }
0xb: {  	s23 =	sshrl.u32 s10, $0x2;
	s11 =	ssub.s32 s11, s22;
	s6 =	sor.u32 $0x1C03, s15  }
0xc: {  	s14 =	sadd.s32 s23, s1;
	s19 =	sadd.s32 $0x355200, s12;
	s11 =	smax.u32 s11, $0x1  }
0xd: {  	s24 =	sadd.s32 $0x6A4, s9;
	s25 =	sshrl.u32 s9, $0x5;
	s26 =	sshrl.u32 s9, $0x1  }
0xe: {  	s9 =	sshll.u32 s9, $0x6;
	s14 =	sshrl.u32 s14, $0x3;
	s19 =	sadd.s32 s20, s19  }
0xf: {  	s20 =	simm.s32 $0x0;
	s5 =	sshrl.u32 s24, $0x5;
	s10 =	sand.u32 $0x7F80, s26  }
0x10: {  	s9 =	sand.u32 $0x3FF800, s9;
	s5 =	ssub.s32 s5, s25;
	s7 =	sadd.s32 s10, s7  }
0x11: {  	s8 =	sadd.s32 s13, s9;
	s9 =	simm.s32 $0x1;
	s28 =	sadd.s32 $0x1, s5  }
0x12: {  	s7 =	sadd.s32 $0x3200, s7;
	s29 =	sand.u32 $0x8000, s28;
	s16 =	sand.u32 $0x1, s28  }
0x13: {  	p0 =	slt.s32 s5, $0x0;
	s15 =	sshrl.u32 s29, $0xF;
	p1 =	seq.s32 s16, $0x1  }
0x14: {  	s16 =	simm.s32 $0x1;
	s10 =	sadd.s32 s15, s28;
	p0 =	por !p0, !p1  }
0x15: {  	s15 =	sadd.s32 s17, s30;
	s17 =	simm.s32 $0x80;
	s10 =	sshll.u32 s10, $0x10  }
.Ltmp0:
0x16: {  	p0 =	por !p0, !p0;
	s31 =	sshll.u32 s15, $0x2;
	(pc) =	sbr.rel .LBB2_1-.Ltmp0, $4  }
0x17: {  	s15 =	sshll.u32 s15, $0x6;
	s10 =	sshra.s32 s10, $0x11;
	s16 =	simm.s32 @!p0 $0x0  }
0x18: {  	s12 =	sand.u32 $0x380, s31;
	s15 =	sand.u32 $0x3FF800, s15;
	s10 =	ssub.s32 s10, s16  }
0x19: {  	s12 =	sadd.s32 $0x8080, s12;
	s13 =	sadd.s32 s15, s13;
	s15 =	simm.s32 $0x3  }
0x1a: {  	s16 =	simm.s32 $0x8000;
	s13 =	sadd.s32 $0x800, s13;
	p0 =	slt.s32 s10, $0x1  }
.LBB2_3:
0x1b: {  	s22 =	smov.u32 s13;
	s21 =	smov.u32 s12;
	s23 =	simm.s32 $0x1  }
.LBB2_6:
0x1c: {  	p1 =	por p1, !p2  }
0x1d: {  	s24 =	simm.s32 @!p3 $0x0;
	s26 =	simm.s32 @!p3 $0x4000;
	[sflag:s25] =	ssyncadd.s32 @!p1 $0xFFFFC000  }
0x1e: {  	[tilespmem:s26], [sflag:$0x2] =	stream.linear.gather @!p3 [hbm4b:s22+s24], $0x4000, $0x38;
	[tilespmem:$0x1EC00] =	vst v63  }
0x1f: {  	_ =	swait.ge [sflag:s9], $0x4000  }
0x20: {  	p1 =	por p3, p3;
	[sflag:s9] =	ssyncset.done $0x0  }
0x21: {  	s31 =	sadd.s32 $0xFFFFFF80, s21;
	s23 =	sadd.s32 @!p1 $0x1, s23;
	[sflag:s9] =	ssyncadd.s32 $0xFFFFC000  }
0x22: {  	[spmem:s1] =	stream.indirect.scatter.add.f32 [tilespmem:s2], [sflag:$0x4], $0x80, s31, s17, $0xb8;
	[tilespmem:$0x1EC00] =	vst v63  }
0x23: {  	p2 =	sge.s32 @!p1 s23, s5;
	_ =	swait.ge [sflag:s18], $0x4000  }
0x24: {  	s23 =	simm.s32 @!p1 $0x2;
	p2 =	por p2, p1;
	[sflag:s18] =	ssyncset.done $0x0  }
0x25: {  	s22 =	sadd.s32 @!p2 $0x800, s22;
	s24 =	simm.s32 @!p2 $0x0;
	[sflag:s18] =	ssyncadd.s32 $0xFFFFC000  }
0x26: {  	[tilespmem:s24], [sflag:$0x1] =	stream.linear.gather @!p2 [hbm4b:s22+s24], $0x4000, $0x38;
	[tilespmem:$0x1EC00] =	vst v63  }
0x27: {  	_ =	swait.ge @!p1 [sflag:s23], $0x4000  }
0x28: {  	[sflag:s23] =	ssyncset.done @!p1 $0x0  }
0x29: {  	s22 =	simm.s32 @!p1 $0x80;
	[sflag:s23] =	ssyncadd.s32 @!p1 $0xFFFFC000;
	s23 =	simm.s32 @!p1 $0x3  }
0x2a: {  	[spmem:s1] =	stream.indirect.scatter.add.f32 @!p1 [tilespmem:s26], [sflag:$0x3], $0x80, s21, s22, $0xb8;
	[tilespmem:$0x1EC00] =	vst v63  }
0x2b: {  	_ =	swait.ge @!p1 [sflag:s23], $0x4000  }
0x2c: {  	[sflag:s23] =	ssyncset.done @!p1 $0x0  }
0x2d: {  	[sflag:s23] =	ssyncadd.s32 @!p1 $0xFFFFC000  }
.LBB2_7:
0x2e: {  	s20 =	sadd.s32 $0x1, s20  }
0x2f: {  	p1 =	sne.s32 s20, s11  }
.Ltmp1:
0x30: {  	[bflag:$0x0] =	sbarrier.arrive $0xFFFF;
	(pc) =	sbr.rel @!p1 .LBB2_8-.Ltmp1, $4  }
0x31: {  	[hbm:s19], [sflag:s6] =	dma.local [spmem:s14], $0x2800  }
0x32: {  	_ =	swait.ge [sflag:s15], $0x2800  }
0x33: {  	[sflag:s15] =	ssyncset.done $0x0  }
0x34: {  	[sflag:s15] =	ssyncadd.s32 $0xFFFFD800  }
.LBB2_1:
0x35: {  	[spmem:s14], [sflag:s6] =	dma.local [hbm:s4], $0x2800  }
0x36: {  	_ =	swait.ge [sflag:s15], $0x2800  }
0x37: {  	[sflag:s15] =	ssyncset.done $0x0  }
0x38: {  	[sflag:s15] =	ssyncadd.s32 $0xFFFFD800  }
0x39: {  	[tilespmem:s16], [sflag:$0x3] =	stream.linear.gather [hbm4b:s7+s2], $0x2C00, $0x38;
	[tilespmem:$0x1EC00] =	vst v63  }
.Ltmp2:
0x3a: {  	_ =	swait.ge [sflag:s15], $0x2C00;
	(pc) =	sbr.rel @p0 .LBB2_7-.Ltmp2, $4  }
0x3b: {  	[sflag:s15] =	ssyncset.done $0x0  }
0x3c: {  	[sflag:s15] =	ssyncadd.s32 $0xFFFFD400  }
0x3d: {  	[bflag:$0x0] =	sbarrier.arrive $0xFFFF  }
0x3e: {  	[tilespmem:s2], [sflag:$0x1] =	stream.linear.gather [hbm4b:s8+s2], $0x4000, $0x38;
	[tilespmem:$0x1EC00] =	vst v63  }
0x3f: {  	p1 =	sgt.s32 s10, $0x1  }
.Ltmp3:
0x40: {  	_ = 	snop;
	(pc) =	sbr.rel @!p1 .LBB2_3-.Ltmp3, $2  }
0x41: {  	_ =	sdelay $0x2  }
0x42: {  	p3 =	sle.s32 s5, $0x1;
	p2 =	por $0x0, $0x0  }
0x43: {  	s21 =	simm.s32 @!p3 $0x0;
	s22 =	simm.s32 @!p3 $0x4000  }
0x44: {  	[tilespmem:s22], [sflag:$0x2] =	stream.linear.gather @!p3 [hbm4b:s13+s21], $0x4000, $0x38;
	[tilespmem:$0x1EC00] =	vst v63  }
0x45: {  	_ =	swait.ge [sflag:s9], $0x4000  }
0x46: {  	[sflag:s9] =	ssyncset.done $0x0  }
0x47: {  	p1 =	por p3, p3;
	s31 =	sadd.s32 $0xFFFFFF80, s12;
	[sflag:s9] =	ssyncadd.s32 $0xFFFFC000  }
0x48: {  	[spmem:s1] =	stream.indirect.scatter.add.f32 [tilespmem:s2], [sflag:$0x4], $0x80, s31, s17, $0xb8;
	[tilespmem:$0x1EC00] =	vst v63  }
0x49: {  	p2 =	sle.s32 @!p1 s5, $0x2;
	_ =	swait.ge [sflag:s18], $0x4000  }
0x4a: {  	s21 =	simm.s32 @!p1 $0x2;
	p2 =	por p2, p1;
	[sflag:s18] =	ssyncset.done $0x0  }
0x4b: {  	s23 =	sadd.s32 @!p2 $0x800, s13;
	s24 =	simm.s32 @!p2 $0x0;
	[sflag:s18] =	ssyncadd.s32 $0xFFFFC000  }
0x4c: {  	[tilespmem:s24], [sflag:$0x1] =	stream.linear.gather @!p2 [hbm4b:s23+s24], $0x4000, $0x38;
	[tilespmem:$0x1EC00] =	vst v63  }
0x4d: {  	p4 =	sgt.s32 s10, $0x2;
	s25 =	simm.s32 @!p1 $0x3;
	_ =	swait.ge @!p1 [sflag:s21], $0x4000  }
.Ltmp4:
0x4e: {  	p3 =	sle.s32 s5, $0x3;
	[sflag:s21] =	ssyncset.done @!p1 $0x0;
	(pc) =	sbr.rel @!p4 .LBB2_6-.Ltmp4, $4  }
0x4f: {  	s24 =	simm.s32 $0x2;
	[sflag:s21] =	ssyncadd.s32 @!p1 $0xFFFFC000;
	s21 =	simm.s32 @!p1 $0x80  }
0x50: {  	[spmem:s1] =	stream.indirect.scatter.add.f32 @!p1 [tilespmem:s22], [sflag:$0x3], $0x80, s12, s21, $0xb8;
	[tilespmem:$0x1EC00] =	vst v63  }
0x51: {  	s23 =	simm.s32 $0x3;
	p2 =	por $0x1, $0x1;
	_ =	swait.ge @!p1 [sflag:s25], $0x4000  }
0x52: {  	s22 =	sadd.s32 $0x1000, s13;
	s21 =	sadd.s32 $0x100, s12;
	[sflag:s25] =	ssyncset.done @!p1 $0x0  }
.LBB2_5:
0x53: {  	s26 =	simm.s32 @!p3 $0x0;
	s28 =	simm.s32 @!p3 $0x4000;
	[sflag:s25] =	ssyncadd.s32 @!p1 $0xFFFFC000  }
0x54: {  	[tilespmem:s28], [sflag:$0x2] =	stream.linear.gather @!p3 [hbm4b:s22+s26], $0x4000, $0x38;
	[tilespmem:$0x1EC00] =	vst v63  }
0x55: {  	s24 =	sadd.s32 $0x1, s24;
	p1 =	por p3, p3;
	_ =	swait.ge [sflag:s9], $0x4000  }
0x56: {  	p4 =	slt.s32 s24, s10;
	[sflag:s9] =	ssyncset.done $0x0  }
0x57: {  	s25 =	sadd.s32 $0xFFFFFF80, s21;
	s26 =	sadd.s32 @!p1 $0x1, s23;
	[sflag:s9] =	ssyncadd.s32 $0xFFFFC000  }
0x58: {  	[spmem:s1] =	stream.indirect.scatter.add.f32 [tilespmem:s2], [sflag:$0x4], $0x80, s25, s17, $0xb8;
	[tilespmem:$0x1EC00] =	vst v63  }
0x59: {  	p3 =	sge.s32 @!p1 s26, s5;
	_ =	swait.ge [sflag:s18], $0x4000  }
0x5a: {  	p3 =	por p3, p1;
	s25 =	simm.s32 @!p1 $0x2;
	[sflag:s18] =	ssyncset.done $0x0  }
0x5b: {  	s26 =	sadd.s32 @!p3 $0x800, s22;
	s29 =	simm.s32 @!p3 $0x0;
	[sflag:s18] =	ssyncadd.s32 $0xFFFFC000  }
0x5c: {  	[tilespmem:s29], [sflag:$0x1] =	stream.linear.gather @!p3 [hbm4b:s26+s29], $0x4000, $0x38;
	[tilespmem:$0x1EC00] =	vst v63  }
0x5d: {  	_ =	swait.ge @!p1 [sflag:s25], $0x4000  }
.Ltmp5:
0x5e: {  	[sflag:s25] =	ssyncset.done @!p1 $0x0;
	(pc) =	sbr.rel @p4 .LBB2_5-.Ltmp5, $4  }
0x5f: {  	s26 =	simm.s32 @!p1 $0x80;
	[sflag:s25] =	ssyncadd.s32 @!p1 $0xFFFFC000;
	s25 =	simm.s32 @!p1 $0x3  }
0x60: {  	[spmem:s1] =	stream.indirect.scatter.add.f32 @!p1 [tilespmem:s28], [sflag:$0x3], $0x80, s21, s26, $0xb8;
	[tilespmem:$0x1EC00] =	vst v63  }
0x61: {  	s23 =	sadd.s32 $0x2, s23;
	s22 =	sadd.s32 $0x1000, s22;
	_ =	swait.ge @!p1 [sflag:s25], $0x4000  }
0x62: {  	p3 =	sge.s32 s23, s5;
	s21 =	sadd.s32 $0x100, s21;
	[sflag:s25] =	ssyncset.done @!p1 $0x0  }
.Ltmp6:
0x63: {  	_ = 	snop;
	(pc) =	sbr.rel .LBB2_6-.Ltmp6, $1  }
0x64: {  	_ =	sdelay $0x3  }
.LBB2_8:
0x65: {  	_ =	sfence.sel $0x180000  }
0x66: {  	[bflag:$0x0] =	sbarrier.arrive $0xFFFF  }
0x67: {  	p0 =	sne.s32 s3, $0x0;
	_ =	strace $0x90000047  }
0x68: {  	s0 =	sadd.s32 @!p0 $0x100000, s0;
	[bflag:$0x2] =	sbarrier.arrive $0xFFFF  }
0x69: {  	[sflag:s0] =	ssyncadd.tile.s32 @!p0 $0x1;
	_ =	shalt  }
.Lfunc_end2:
_tile_overlayer_lowered:
.L_overlay_start_2:
0x6a: {  	(tag) =	ssettag $0x2  }
0x6b: {  	s0 =	rddreg [dreg:$0x0];
	s2 =	stileid.u32  }
0x6c: {  	s1 =	rddreg [dreg:$0x1];
	p0 =	sne.s32 s2, $0x0  }
0x6d: {  	s3 =	rddreg [dreg:$0x2];
	[bflag:$0x3] =	sbarrier.arrive $0xFFFF;
	s2 =	simm.s32 @!p0 $0x1C03  }
0x6e: {  	[timem:s3], [sflag:s2] =	dma.local @!p0 [hbm:s0], s1  }
0x6f: {  	s0 =	simm.s32 @!p0 $0x3  }
0x70: {  	_ =	swait.ge @!p0 [sflag:s0], s1  }
0x71: {  	s1 =	ssub.s32 @!p0 $0x0, s1;
	[sflag:s0] =	ssyncset.done @!p0 $0x0  }
0x72: {  	[sflag:s0] =	ssyncadd.s32 @!p0 s1  }
0x73: {  	[bflag:$0x3] =	sbarrier.arrive $0xFFFF  }
0x74: {  	_ =	shalt  }

</sc_bundles>
